<compile_context>
chip_gen: v7x
topology: tpu7x:2x2x1
jax: 0.10.2.dev20260603
libtpu: 0.0.44.dev20260713+nightly
codegen_flags: <defaults>
</compile_context>

<pallas_src>
import functools
import math

import jax
import jax.numpy as jnp
from jax import lax
from jax.experimental import pallas as pl
from jax.experimental.pallas import tpu as pltpu
from jax.experimental.pallas import tpu_sc as plsc

T = 2048
D = 768
F = 2048
E = 64
CAP = 64
CHUNK = 128


def _route_kernel(xf_ref, rw_ref, rb_ref, slot_ref, nval_ref):
    xf = xf_ref[...]
    logits = jax.lax.dot_general(
        xf, rw_ref[...], (((1,), (1,)), ((), ())),
        preferred_element_type=jnp.float32)
    logits = logits + rb_ref[...]
    m = jnp.max(logits, axis=1, keepdims=True)
    p = jnp.exp(logits - m)
    probs = p / jnp.sum(p, axis=1, keepdims=True)
    e_col = jnp.argmax(probs, axis=1).astype(jnp.int32)[:, None]

    lane_e = jax.lax.broadcasted_iota(jnp.int32, (T, E), 1)
    oh = (lane_e == e_col).astype(jnp.float32)

    tril = (jax.lax.broadcasted_iota(jnp.int32, (CHUNK, CHUNK), 0)
            > jax.lax.broadcasted_iota(jnp.int32, (CHUNK, CHUNK), 1)
            ).astype(jnp.float32)
    base = jnp.zeros((1, E), jnp.float32)
    rank_rows = []
    for k in range(T // CHUNK):
        chunk = jax.lax.slice(oh, (k * CHUNK, 0), ((k + 1) * CHUNK, E))
        within = jax.lax.dot_general(
            tril, chunk, (((1,), (0,)), ((), ())),
            preferred_element_type=jnp.float32)
        rank_rows.append(within + base)
        base = base + jnp.sum(chunk, axis=0, keepdims=True)
    rank_te = jnp.concatenate(rank_rows, axis=0)
    counts = base

    r = jnp.sum(rank_te * oh, axis=1).astype(jnp.int32)[:, None]
    r = jnp.minimum(r, CAP - 1)

    slot_ref[...] = e_col * CAP + r

    keep = (counts <= float(CAP)).astype(jnp.float32)
    nval_ref[...] = (counts * keep).astype(jnp.int32)


_NW = 32
_TPW = T // _NW


@functools.partial(
    pl.kernel,
    out_type=jax.ShapeDtypeStruct((E * CAP,), jnp.int32),
    mesh=plsc.VectorSubcoreMesh(core_axis_name="c", subcore_axis_name="s"),
    scratch_types=[
        pltpu.VMEM((_TPW,), jnp.int32),
        pltpu.VMEM((_TPW,), jnp.int32),
        pltpu.SemaphoreType.DMA,
    ],
)
def _sc_scatter_tok(slot_hbm, tok_hbm, slot_v, ids_v, sem):
    wid = lax.axis_index("s") * 2 + lax.axis_index("c")
    base = wid * _TPW
    pltpu.sync_copy(slot_hbm.at[pl.ds(base, _TPW)], slot_v)
    for c in range(_TPW // 16):
        ids_v[pl.ds(c * 16, 16)] = base + c * 16 + lax.iota(jnp.int32, 16)
    pltpu.async_copy(ids_v, tok_hbm.at[slot_v], sem).wait()


def _ffn_kernel(tok_ref, nval_ref, xf_ref, w1_ref, b1_ref, w2_ref, b2_ref,
                out_ref, xg_ref):
    e = pl.program_id(0)

    @pl.when(e == 0)
    def _init():
        out_ref[...] = jnp.zeros_like(out_ref)

    for i in range(CAP):
        t = jnp.clip(tok_ref[e, i], 0, T - 1)
        xg_ref[pl.ds(i, 1), :] = xf_ref[pl.ds(t, 1), :]

    h = jax.lax.dot_general(
        xg_ref[...], w1_ref[0], (((1,), (0,)), ((), ())),
        preferred_element_type=jnp.float32)
    h = h + b1_ref[pl.ds(0, 1), pl.ds(e, 1), :][0]
    h = 0.5 * h * (1.0 + jax.lax.erf(h * (1.0 / math.sqrt(2.0))))
    y = jax.lax.dot_general(
        h, w2_ref[0], (((1,), (0,)), ((), ())),
        preferred_element_type=jnp.float32)
    y = y + b2_ref[pl.ds(0, 1), pl.ds(e, 1), :][0]

    n = nval_ref[0, e]
    for i in range(CAP):
        @pl.when(i < n)
        def _store(i=i):
            t = jnp.clip(tok_ref[e, i], 0, T - 1)
            out_ref[pl.ds(t, 1), :] = y[i:i + 1, :]


def kernel(x, router_W, router_b, W1, b1, W2, b2):
    xf = x.reshape(T, D)
    rb = router_b.reshape(1, E)

    slot, nval = pl.pallas_call(
        _route_kernel,
        out_shape=(
            jax.ShapeDtypeStruct((T, 1), jnp.int32),
            jax.ShapeDtypeStruct((1, E), jnp.int32),
        ),
    )(xf, router_W, rb)

    tok = _sc_scatter_tok(slot.reshape(T)).reshape(E, CAP)

    out = pl.pallas_call(
        _ffn_kernel,
        grid=(E,),
        in_specs=[
            pl.BlockSpec(memory_space=pltpu.SMEM),
            pl.BlockSpec(memory_space=pltpu.SMEM),
            pl.BlockSpec((T, D), lambda e: (0, 0)),
            pl.BlockSpec((1, D, F), lambda e: (e, 0, 0)),
            pl.BlockSpec((1, E, F), lambda e: (0, 0, 0)),
            pl.BlockSpec((1, F, D), lambda e: (e, 0, 0)),
            pl.BlockSpec((1, E, D), lambda e: (0, 0, 0)),
        ],
        out_specs=pl.BlockSpec((T, D), lambda e: (0, 0)),
        out_shape=jax.ShapeDtypeStruct((T, D), jnp.float32),
        scratch_shapes=[pltpu.VMEM((CAP, D), jnp.float32)],
        compiler_params=pltpu.CompilerParams(
            dimension_semantics=("arbitrary",),
            vmem_limit_bytes=100 * 1024 * 1024,
        ),
    )(tok, nval, xf, W1, b1.reshape(1, E, F), W2, b2.reshape(1, E, D))

    return out.reshape(x.shape)

# --- scband reference (transcript-rebuilt; emitter-appended) ---
"""Pipeline reference for scband-mixture-of-experts-35029753266724 (READ-ONLY COPY).

The authoritative reference and input builder live on the scoring server;
editing this copy changes nothing except your own understanding.
"""

import jax, jax.numpy as jnp
import numpy as np

B = 1
S = 2048
D_MODEL = 768
D_FF = 2048
E = 64
K = 1
CAP_FACTOR = 2.0


def setup_inputs(seed: int = 0) -> dict:
    key = jax.random.key(seed)
    ks = jax.random.split(key, 8)
    x = jax.random.normal(ks[0], (B, S, D_MODEL), dtype=jnp.float32)
    router_W = jax.random.normal(ks[1], (E, D_MODEL), dtype=jnp.float32) * 0.02
    router_b = jnp.zeros((E,), dtype=jnp.float32)
    W1 = jax.random.normal(ks[2], (E, D_MODEL, D_FF), dtype=jnp.float32) * 0.02
    b1 = jnp.zeros((E, D_FF), dtype=jnp.float32)
    W2 = jax.random.normal(ks[3], (E, D_FF, D_MODEL), dtype=jnp.float32) * 0.02
    b2 = jnp.zeros((E, D_MODEL), dtype=jnp.float32)
    return {"x": x, "router_W": router_W, "router_b": router_b,
            "W1": W1, "b1": b1, "W2": W2, "b2": b2}


def _moe_forward(x, router_W, router_b, W1, b1, W2, b2):
    B_, S_, D = x.shape
    T = B_ * S_
    xf = x.reshape(T, D)
    # router: logits -> softmax -> top-k routing weights (renormalized)
    logits = xf @ router_W.T + router_b
    probs = jax.nn.softmax(logits, axis=-1)
    rw, sel = jax.lax.top_k(probs, K)
    rw = rw / jnp.sum(rw, axis=-1, keepdims=True)
    capacity = int(CAP_FACTOR * T / E)
    out = jnp.zeros((T, D), dtype=x.dtype)
    for i in range(K):
        e_idx = sel[:, i]
        w = rw[:, i]
        counts = jnp.bincount(e_idx, length=E)
        starts = jnp.cumsum(counts) - counts
        order = jnp.argsort(e_idx)  # stable sort of token ids by expert id
        pos = starts[:, None] + jnp.arange(capacity)[None, :]
        valid = jnp.arange(capacity)[None, :] < counts[:, None]
        pos = jnp.clip(pos, 0, T - 1)
        tok = order[pos]  # [E, capacity] token ids per expert
        xg = xf[tok]  # [E, capacity, D] gathered expert inputs
        h = jax.nn.gelu(jnp.einsum('ecd,edf->ecf', xg, W1) + b1[:, None, :],
                        approximate=False)
        y = jnp.einsum('ecf,efd->ecd', h, W2) + b2[:, None, :]
        # faithful to the torch module: an expert whose assignment count exceeds
        # capacity ends up contributing nothing (its mask is wiped in the
        # original code), so keep==False zeroes that expert's contribution.
        keep = (counts <= capacity)
        scale = w[tok] * valid.astype(x.dtype) * keep[:, None].astype(x.dtype)
        out = out.at[tok.reshape(-1)].add((y * scale[..., None]).reshape(-1, D))
    return out.reshape(B_, S_, D)


def reference(x, router_W, router_b, W1, b1, W2, b2):
    return _moe_forward(x, router_W, router_b, W1, b1, W2, b2)

if __name__ == "__main__":
    import jax
    _d = setup_inputs()
    print(jax.jit(kernel)(*tuple(_d.values())))

</pallas_src>

<mosaic_0001>
#map = affine_map<(d0, d1) -> (0)>
module attributes {stable_mosaic.version = 14 : i64} {
  func.func @_sc_scatter_tok(%arg0: i32, %arg1: i32, %arg2: memref<2048xi32, #tpu.memory_space<hbm>>, %arg3: memref<4096xi32, #tpu.memory_space<hbm>>, %arg4: memref<64xi32, #tpu.memory_space<vmem>>, %arg5: memref<64xi32, #tpu.memory_space<vmem>>, %arg6: memref<!tpu.dma_semaphore, #tpu.memory_space<semaphore_mem>>) attributes {dimension_semantics = [#tpu.dimension_semantics<core_parallel>, #tpu.dimension_semantics<subcore_parallel>], iteration_bounds = array<i64: 2, 16>, scalar_prefetch = 0 : i64, scratch_operands = 3 : i64, tpu.core_type = #tpu.core_type<sc_vector_subcore>, window_params = [{transform_indices = #map}, {transform_indices = #map}]} {
    %mul3A = arith.constant 2 : i32
    %mul3A_0 = arith.muli %arg1, %mul3A : i32
    %add3A = arith.addi %mul3A_0, %arg0 : i32
    %mul3A_1 = arith.constant 64 : i32
    %mul3A_2 = arith.muli %add3A, %mul3A_1 : i32
    "tpu.region"() ({
      %run_scoped3A = tpu.sem_alloc : memref<!tpu.dma_semaphore, #tpu.memory_space<semaphore_mem>>
      %dma_start3A_39 = tpu.memref_slice %arg2[%mul3A_2] : memref<2048xi32, #tpu.memory_space<hbm>> -> memref<64xi32, #tpu.memory_space<hbm>>
      %dma_start3A_40 = tpu.memref_slice %arg2[%mul3A_2] : memref<2048xi32, #tpu.memory_space<hbm>> -> memref<64xi32, #tpu.memory_space<hbm>>
      tpu.enqueue_dma source(%dma_start3A_40 : memref<64xi32, #tpu.memory_space<hbm>>) target(%arg4 : memref<64xi32, #tpu.memory_space<vmem>>) target_semaphore(%run_scoped3A : memref<!tpu.dma_semaphore, #tpu.memory_space<semaphore_mem>>)
      %dma_wait3A_41 = tpu.memref_slice %arg2[%mul3A_2] : memref<2048xi32, #tpu.memory_space<hbm>> -> memref<64xi32, #tpu.memory_space<hbm>>
      %dma_wait3A_42 = tpu.memref_slice %arg2[%mul3A_2] : memref<2048xi32, #tpu.memory_space<hbm>> -> memref<64xi32, #tpu.memory_space<hbm>>
      tpu.wait_dma2 semaphore(%run_scoped3A : memref<!tpu.dma_semaphore, #tpu.memory_space<semaphore_mem>>) src(%dma_wait3A_42 : memref<64xi32, #tpu.memory_space<hbm>>) dst(%arg4 : memref<64xi32, #tpu.memory_space<vmem>>)
      tpu.yield
    }) : () -> ()
    %add3A_3 = arith.constant 0 : i32
    %add3A_4 = arith.addi %mul3A_2, %add3A_3 : i32
    %iota3A = tpu.iota {dimensions = array<i32: 0>} : vector<16xi32>
    %add3A_5 = vector.broadcast %add3A_4 : i32 to vector<16xi32>
    %add3A_6 = arith.addi %add3A_5, %iota3A : vector<16xi32>
    %swap3A = arith.constant 0 : index
    %swap3A_7 = tpu.vector_load %arg5[%swap3A] {strides = array<i32>} : memref<64xi32, #tpu.memory_space<vmem>>, vector<16xi32>,
    %swap3A_8 = vector.shape_cast %swap3A_7 : vector<16xi32> to vector<16xi32>
    %swap3A_9 = vector.shape_cast %add3A_6 : vector<16xi32> to vector<16xi32>
    tpu.vector_store %arg5[%swap3A], %swap3A_9 {strides = array<i32>} : memref<64xi32, #tpu.memory_space<vmem>>, vector<16xi32>,
    %add3A_10 = arith.constant 16 : i32
    %add3A_11 = arith.addi %mul3A_2, %add3A_10 : i32
    %iota3A_12 = tpu.iota {dimensions = array<i32: 0>} : vector<16xi32>
    %add3A_13 = vector.broadcast %add3A_11 : i32 to vector<16xi32>
    %add3A_14 = arith.addi %add3A_13, %iota3A_12 : vector<16xi32>
    %swap3A_15 = arith.constant 16 : index
    %swap3A_16 = tpu.vector_load %arg5[%swap3A_15] {strides = array<i32>} : memref<64xi32, #tpu.memory_space<vmem>>, vector<16xi32>,
    %swap3A_17 = vector.shape_cast %swap3A_16 : vector<16xi32> to vector<16xi32>
    %swap3A_18 = vector.shape_cast %add3A_14 : vector<16xi32> to vector<16xi32>
    tpu.vector_store %arg5[%swap3A_15], %swap3A_18 {strides = array<i32>} : memref<64xi32, #tpu.memory_space<vmem>>, vector<16xi32>,
    %add3A_19 = arith.constant 32 : i32
    %add3A_20 = arith.addi %mul3A_2, %add3A_19 : i32
    %iota3A_21 = tpu.iota {dimensions = array<i32: 0>} : vector<16xi32>
    %add3A_22 = vector.broadcast %add3A_20 : i32 to vector<16xi32>
    %add3A_23 = arith.addi %add3A_22, %iota3A_21 : vector<16xi32>
    %swap3A_24 = arith.constant 32 : index
    %swap3A_25 = tpu.vector_load %arg5[%swap3A_24] {strides = array<i32>} : memref<64xi32, #tpu.memory_space<vmem>>, vector<16xi32>,
    %swap3A_26 = vector.shape_cast %swap3A_25 : vector<16xi32> to vector<16xi32>
    %swap3A_27 = vector.shape_cast %add3A_23 : vector<16xi32> to vector<16xi32>
    tpu.vector_store %arg5[%swap3A_24], %swap3A_27 {strides = array<i32>} : memref<64xi32, #tpu.memory_space<vmem>>, vector<16xi32>,
    %add3A_28 = arith.constant 48 : i32
    %add3A_29 = arith.addi %mul3A_2, %add3A_28 : i32
    %iota3A_30 = tpu.iota {dimensions = array<i32: 0>} : vector<16xi32>
    %add3A_31 = vector.broadcast %add3A_29 : i32 to vector<16xi32>
    %add3A_32 = arith.addi %add3A_31, %iota3A_30 : vector<16xi32>
    %swap3A_33 = arith.constant 48 : index
    %swap3A_34 = tpu.vector_load %arg5[%swap3A_33] {strides = array<i32>} : memref<64xi32, #tpu.memory_space<vmem>>, vector<16xi32>,
    %swap3A_35 = vector.shape_cast %swap3A_34 : vector<16xi32> to vector<16xi32>
    %swap3A_36 = vector.shape_cast %add3A_32 : vector<16xi32> to vector<16xi32>
    tpu.vector_store %arg5[%swap3A_33], %swap3A_36 {strides = array<i32>} : memref<64xi32, #tpu.memory_space<vmem>>, vector<16xi32>,
    %dma_start3A = arith.constant 0 : i32
    %dma_start3A_37 = tpu.memref_slice %arg3[%dma_start3A] : memref<4096xi32, #tpu.memory_space<hbm>> -> memref<4096xi32, #tpu.memory_space<hbm>>
    tpu.enqueue_indirect_dma source(%arg5 : memref<64xi32, #tpu.memory_space<vmem>>) target(%dma_start3A_37 : memref<4096xi32, #tpu.memory_space<hbm>>) offsets(%arg4 : memref<64xi32, #tpu.memory_space<vmem>>) semaphore(%arg6 : memref<!tpu.dma_semaphore, #tpu.memory_space<semaphore_mem>>)
    %dma_wait3A = arith.constant 0 : i32
    %dma_wait3A_38 = tpu.memref_slice %arg3[%dma_wait3A] : memref<4096xi32, #tpu.memory_space<hbm>> -> memref<4096xi32, #tpu.memory_space<hbm>>
    tpu.wait_indirect_dma semaphore(%arg6 : memref<!tpu.dma_semaphore, #tpu.memory_space<semaphore_mem>>) src(%arg5 : memref<64xi32, #tpu.memory_space<vmem>>) dst(%dma_wait3A_38 : memref<4096xi32, #tpu.memory_space<hbm>>)
    return
  }
}

module attributes {stable_mosaic.version = 14 : i64} {
  func.func @_route_kernel(%arg0: memref<2048x768xf32, #tpu.memory_space<vmem>>, %arg1: memref<64x768xf32, #tpu.memory_space<vmem>>, %arg2: memref<1x64xf32, #tpu.memory_space<vmem>>, %arg3: memref<2048x1xi32, #tpu.memory_space<vmem>>, %arg4: memref<1x64xi32, #tpu.memory_space<vmem>>) attributes {dimension_semantics = [], scalar_prefetch = 0 : i64, scratch_operands = 0 : i64, tpu.core_type = #tpu.core_type<tc>} {
    %get3A = arith.constant 0 : index
    %get3A_0 = arith.constant 0 : index
    %get3A_1 = vector.load %arg0[%get3A, %get3A_0] : memref<2048x768xf32, #tpu.memory_space<vmem>>, vector<2048x768xf32>
    %get3A_2 = arith.constant 0 : index
    %get3A_3 = arith.constant 0 : index
    %get3A_4 = vector.load %arg1[%get3A_2, %get3A_3] : memref<64x768xf32, #tpu.memory_space<vmem>>, vector<64x768xf32>
    %dot_general3A = arith.constant dense<0.000000e+00> : vector<2048x64xf32>
    %dot_general3A_5 = tpu.matmul %get3A_1, %get3A_4, %dot_general3A {dimension_numbers = #tpu.dot_dimension_numbers<[1], [1], [0], [0], [0, 0, 1, 0], [], []>, transpose_lhs_hint = false} : vector<2048x768xf32>, vector<64x768xf32>, vector<2048x64xf32> -> vector<2048x64xf32>
    %get3A_6 = arith.constant 0 : index
    %get3A_7 = arith.constant 0 : index
    %get3A_8 = vector.load %arg2[%get3A_6, %get3A_7] : memref<1x64xf32, #tpu.memory_space<vmem>>, vector<1x64xf32>
    %add3A = vector.broadcast %get3A_8 : vector<1x64xf32> to vector<2048x64xf32>
    %add3A_9 = arith.addf %dot_general3A_5, %add3A : vector<2048x64xf32>
    %reduce_max3A = arith.constant dense<0xFF800000> : vector<2048xf32>
    %reduce_max3A_10 = vector.multi_reduction <maximumf>, %add3A_9, %reduce_max3A [1] : vector<2048x64xf32> to vector<2048xf32>
    %broadcast_in_dim3A = vector.shape_cast %reduce_max3A_10 : vector<2048xf32> to vector<2048x1xf32>
    %sub3A = vector.broadcast %broadcast_in_dim3A : vector<2048x1xf32> to vector<2048x64xf32>
    %sub3A_11 = arith.subf %add3A_9, %sub3A : vector<2048x64xf32>
    %exp3A = math.exp %sub3A_11 : vector<2048x64xf32>
    %reduce_sum3A = arith.constant dense<0.000000e+00> : vector<2048xf32>
    %reduce_sum3A_12 = vector.multi_reduction <add>, %exp3A, %reduce_sum3A [1] : vector<2048x64xf32> to vector<2048xf32>
    %broadcast_in_dim3A_13 = vector.shape_cast %reduce_sum3A_12 : vector<2048xf32> to vector<2048x1xf32>
    %div3A = vector.broadcast %broadcast_in_dim3A_13 : vector<2048x1xf32> to vector<2048x64xf32>
    %div3A_14 = arith.divf %exp3A, %div3A : vector<2048x64xf32>
    %argmax3A = tpu.reduce_index %div3A_14 {axis = 1 : i32, kind = #tpu.reduction_kind<arg_max>} : vector<2048x64xf32> -> vector<2048xi32>
    %broadcast_in_dim3A_15 = vector.shape_cast %argmax3A : vector<2048xi32> to vector<2048x1xi32>
    %iota3A = tpu.iota {dimensions = array<i32: 1>} : vector<2048x64xi32>
    %eq3A = vector.broadcast %broadcast_in_dim3A_15 : vector<2048x1xi32> to vector<2048x64xi32>
    %eq3A_16 = arith.cmpi eq, %iota3A, %eq3A : vector<2048x64xi32>
    %convert_element_type3A = arith.extui %eq3A_16 : vector<2048x64xi1> to vector<2048x64xi32>
    %convert_element_type3A_17 = arith.sitofp %convert_element_type3A : vector<2048x64xi32> to vector<2048x64xf32>
    %iota3A_18 = tpu.iota {dimensions = array<i32: 0>} : vector<128x128xi32>
    %iota3A_19 = tpu.iota {dimensions = array<i32: 1>} : vector<128x128xi32>
    %gt3A = arith.cmpi sgt, %iota3A_18, %iota3A_19 : vector<128x128xi32>
    %convert_element_type3A_20 = arith.extui %gt3A : vector<128x128xi1> to vector<128x128xi32>
    %convert_element_type3A_21 = arith.sitofp %convert_element_type3A_20 : vector<128x128xi32> to vector<128x128xf32>
    %broadcast_in_dim3A_22 = arith.constant 0.000000e+00 : f32
    %broadcast_in_dim3A_23 = vector.broadcast %broadcast_in_dim3A_22 : f32 to vector<1x64xf32>
    %slice3A = vector.extract_strided_slice %convert_element_type3A_17 {offsets = [0, 0], sizes = [128, 64], strides = [1, 1]} : vector<2048x64xf32> to vector<128x64xf32>
    %dot_general3A_24 = arith.constant dense<0.000000e+00> : vector<128x64xf32>
    %dot_general3A_25 = tpu.matmul %convert_element_type3A_21, %slice3A, %dot_general3A_24 {dimension_numbers = #tpu.dot_dimension_numbers<[1], [0], [0], [1], [0, 0, 1, 1], [], []>, transpose_lhs_hint = false} : vector<128x128xf32>, vector<128x64xf32>, vector<128x64xf32> -> vector<128x64xf32>
    %add3A_26 = vector.broadcast %broadcast_in_dim3A_23 : vector<1x64xf32> to vector<128x64xf32>
    %add3A_27 = arith.addf %dot_general3A_25, %add3A_26 : vector<128x64xf32>
    %reduce_sum3A_28 = arith.constant dense<0.000000e+00> : vector<64xf32>
    %reduce_sum3A_29 = vector.multi_reduction <add>, %slice3A, %reduce_sum3A_28 [0] : vector<128x64xf32> to vector<64xf32>
    %broadcast_in_dim3A_30 = vector.shape_cast %reduce_sum3A_29 : vector<64xf32> to vector<1x64xf32>
    %add3A_31 = arith.addf %broadcast_in_dim3A_23, %broadcast_in_dim3A_30 : vector<1x64xf32>
    %slice3A_32 = vector.extract_strided_slice %convert_element_type3A_17 {offsets = [128, 0], sizes = [128, 64], strides = [1, 1]} : vector<2048x64xf32> to vector<128x64xf32>
    %dot_general3A_33 = arith.constant dense<0.000000e+00> : vector<128x64xf32>
    %dot_general3A_34 = tpu.matmul %convert_element_type3A_21, %slice3A_32, %dot_general3A_33 {dimension_numbers = #tpu.dot_dimension_numbers<[1], [0], [0], [1], [0, 0, 1, 1], [], []>, transpose_lhs_hint = false} : vector<128x128xf32>, vector<128x64xf32>, vector<128x64xf32> -> vector<128x64xf32>
    %add3A_35 = vector.broadcast %add3A_31 : vector<1x64xf32> to vector<128x64xf32>
    %add3A_36 = arith.addf %dot_general3A_34, %add3A_35 : vector<128x64xf32>
    %reduce_sum3A_37 = arith.constant dense<0.000000e+00> : vector<64xf32>
    %reduce_sum3A_38 = vector.multi_reduction <add>, %slice3A_32, %reduce_sum3A_37 [0] : vector<128x64xf32> to vector<64xf32>
    %broadcast_in_dim3A_39 = vector.shape_cast %reduce_sum3A_38 : vector<64xf32> to vector<1x64xf32>
    %add3A_40 = arith.addf %add3A_31, %broadcast_in_dim3A_39 : vector<1x64xf32>
    %slice3A_41 = vector.extract_strided_slice %convert_element_type3A_17 {offsets = [256, 0], sizes = [128, 64], strides = [1, 1]} : vector<2048x64xf32> to vector<128x64xf32>
    %dot_general3A_42 = arith.constant dense<0.000000e+00> : vector<128x64xf32>
    %dot_general3A_43 = tpu.matmul %convert_element_type3A_21, %slice3A_41, %dot_general3A_42 {dimension_numbers = #tpu.dot_dimension_numbers<[1], [0], [0], [1], [0, 0, 1, 1], [], []>, transpose_lhs_hint = false} : vector<128x128xf32>, vector<128x64xf32>, vector<128x64xf32> -> vector<128x64xf32>
    %add3A_44 = vector.broadcast %add3A_40 : vector<1x64xf32> to vector<128x64xf32>
    %add3A_45 = arith.addf %dot_general3A_43, %add3A_44 : vector<128x64xf32>
    %reduce_sum3A_46 = arith.constant dense<0.000000e+00> : vector<64xf32>
    %reduce_sum3A_47 = vector.multi_reduction <add>, %slice3A_41, %reduce_sum3A_46 [0] : vector<128x64xf32> to vector<64xf32>
    %broadcast_in_dim3A_48 = vector.shape_cast %reduce_sum3A_47 : vector<64xf32> to vector<1x64xf32>
    %add3A_49 = arith.addf %add3A_40, %broadcast_in_dim3A_48 : vector<1x64xf32>
    %slice3A_50 = vector.extract_strided_slice %convert_element_type3A_17 {offsets = [384, 0], sizes = [128, 64], strides = [1, 1]} : vector<2048x64xf32> to vector<128x64xf32>
    %dot_general3A_51 = arith.constant dense<0.000000e+00> : vector<128x64xf32>
    %dot_general3A_52 = tpu.matmul %convert_element_type3A_21, %slice3A_50, %dot_general3A_51 {dimension_numbers = #tpu.dot_dimension_numbers<[1], [0], [0], [1], [0, 0, 1, 1], [], []>, transpose_lhs_hint = false} : vector<128x128xf32>, vector<128x64xf32>, vector<128x64xf32> -> vector<128x64xf32>
    %add3A_53 = vector.broadcast %add3A_49 : vector<1x64xf32> to vector<128x64xf32>
    %add3A_54 = arith.addf %dot_general3A_52, %add3A_53 : vector<128x64xf32>
    %reduce_sum3A_55 = arith.constant dense<0.000000e+00> : vector<64xf32>
    %reduce_sum3A_56 = vector.multi_reduction <add>, %slice3A_50, %reduce_sum3A_55 [0] : vector<128x64xf32> to vector<64xf32>
    %broadcast_in_dim3A_57 = vector.shape_cast %reduce_sum3A_56 : vector<64xf32> to vector<1x64xf32>
    %add3A_58 = arith.addf %add3A_49, %broadcast_in_dim3A_57 : vector<1x64xf32>
    %slice3A_59 = vector.extract_strided_slice %convert_element_type3A_17 {offsets = [512, 0], sizes = [128, 64], strides = [1, 1]} : vector<2048x64xf32> to vector<128x64xf32>
    %dot_general3A_60 = arith.constant dense<0.000000e+00> : vector<128x64xf32>
    %dot_general3A_61 = tpu.matmul %convert_element_type3A_21, %slice3A_59, %dot_general3A_60 {dimension_numbers = #tpu.dot_dimension_numbers<[1], [0], [0], [1], [0, 0, 1, 1], [], []>, transpose_lhs_hint = false} : vector<128x128xf32>, vector<128x64xf32>, vector<128x64xf32> -> vector<128x64xf32>
    %add3A_62 = vector.broadcast %add3A_58 : vector<1x64xf32> to vector<128x64xf32>
    %add3A_63 = arith.addf %dot_general3A_61, %add3A_62 : vector<128x64xf32>
    %reduce_sum3A_64 = arith.constant dense<0.000000e+00> : vector<64xf32>
    %reduce_sum3A_65 = vector.multi_reduction <add>, %slice3A_59, %reduce_sum3A_64 [0] : vector<128x64xf32> to vector<64xf32>
    %broadcast_in_dim3A_66 = vector.shape_cast %reduce_sum3A_65 : vector<64xf32> to vector<1x64xf32>
    %add3A_67 = arith.addf %add3A_58, %broadcast_in_dim3A_66 : vector<1x64xf32>
    %slice3A_68 = vector.extract_strided_slice %convert_element_type3A_17 {offsets = [640, 0], sizes = [128, 64], strides = [1, 1]} : vector<2048x64xf32> to vector<128x64xf32>
    %dot_general3A_69 = arith.constant dense<0.000000e+00> : vector<128x64xf32>
    %dot_general3A_70 = tpu.matmul %convert_element_type3A_21, %slice3A_68, %dot_general3A_69 {dimension_numbers = #tpu.dot_dimension_numbers<[1], [0], [0], [1], [0, 0, 1, 1], [], []>, transpose_lhs_hint = false} : vector<128x128xf32>, vector<128x64xf32>, vector<128x64xf32> -> vector<128x64xf32>
    %add3A_71 = vector.broadcast %add3A_67 : vector<1x64xf32> to vector<128x64xf32>
    %add3A_72 = arith.addf %dot_general3A_70, %add3A_71 : vector<128x64xf32>
    %reduce_sum3A_73 = arith.constant dense<0.000000e+00> : vector<64xf32>
    %reduce_sum3A_74 = vector.multi_reduction <add>, %slice3A_68, %reduce_sum3A_73 [0] : vector<128x64xf32> to vector<64xf32>
    %broadcast_in_dim3A_75 = vector.shape_cast %reduce_sum3A_74 : vector<64xf32> to vector<1x64xf32>
    %add3A_76 = arith.addf %add3A_67, %broadcast_in_dim3A_75 : vector<1x64xf32>
    %slice3A_77 = vector.extract_strided_slice %convert_element_type3A_17 {offsets = [768, 0], sizes = [128, 64], strides = [1, 1]} : vector<2048x64xf32> to vector<128x64xf32>
    %dot_general3A_78 = arith.constant dense<0.000000e+00> : vector<128x64xf32>
    %dot_general3A_79 = tpu.matmul %convert_element_type3A_21, %slice3A_77, %dot_general3A_78 {dimension_numbers = #tpu.dot_dimension_numbers<[1], [0], [0], [1], [0, 0, 1, 1], [], []>, transpose_lhs_hint = false} : vector<128x128xf32>, vector<128x64xf32>, vector<128x64xf32> -> vector<128x64xf32>
    %add3A_80 = vector.broadcast %add3A_76 : vector<1x64xf32> to vector<128x64xf32>
    %add3A_81 = arith.addf %dot_general3A_79, %add3A_80 : vector<128x64xf32>
    %reduce_sum3A_82 = arith.constant dense<0.000000e+00> : vector<64xf32>
    %reduce_sum3A_83 = vector.multi_reduction <add>, %slice3A_77, %reduce_sum3A_82 [0] : vector<128x64xf32> to vector<64xf32>
    %broadcast_in_dim3A_84 = vector.shape_cast %reduce_sum3A_83 : vector<64xf32> to vector<1x64xf32>
    %add3A_85 = arith.addf %add3A_76, %broadcast_in_dim3A_84 : vector<1x64xf32>
    %slice3A_86 = vector.extract_strided_slice %convert_element_type3A_17 {offsets = [896, 0], sizes = [128, 64], strides = [1, 1]} : vector<2048x64xf32> to vector<128x64xf32>
    %dot_general3A_87 = arith.constant dense<0.000000e+00> : vector<128x64xf32>
    %dot_general3A_88 = tpu.matmul %convert_element_type3A_21, %slice3A_86, %dot_general3A_87 {dimension_numbers = #tpu.dot_dimension_numbers<[1], [0], [0], [1], [0, 0, 1, 1], [], []>, transpose_lhs_hint = false} : vector<128x128xf32>, vector<128x64xf32>, vector<128x64xf32> -> vector<128x64xf32>
    %add3A_89 = vector.broadcast %add3A_85 : vector<1x64xf32> to vector<128x64xf32>
    %add3A_90 = arith.addf %dot_general3A_88, %add3A_89 : vector<128x64xf32>
    %reduce_sum3A_91 = arith.constant dense<0.000000e+00> : vector<64xf32>
    %reduce_sum3A_92 = vector.multi_reduction <add>, %slice3A_86, %reduce_sum3A_91 [0] : vector<128x64xf32> to vector<64xf32>
    %broadcast_in_dim3A_93 = vector.shape_cast %reduce_sum3A_92 : vector<64xf32> to vector<1x64xf32>
    %add3A_94 = arith.addf %add3A_85, %broadcast_in_dim3A_93 : vector<1x64xf32>
    %slice3A_95 = vector.extract_strided_slice %convert_element_type3A_17 {offsets = [1024, 0], sizes = [128, 64], strides = [1, 1]} : vector<2048x64xf32> to vector<128x64xf32>
    %dot_general3A_96 = arith.constant dense<0.000000e+00> : vector<128x64xf32>
    %dot_general3A_97 = tpu.matmul %convert_element_type3A_21, %slice3A_95, %dot_general3A_96 {dimension_numbers = #tpu.dot_dimension_numbers<[1], [0], [0], [1], [0, 0, 1, 1], [], []>, transpose_lhs_hint = false} : vector<128x128xf32>, vector<128x64xf32>, vector<128x64xf32> -> vector<128x64xf32>
    %add3A_98 = vector.broadcast %add3A_94 : vector<1x64xf32> to vector<128x64xf32>
    %add3A_99 = arith.addf %dot_general3A_97, %add3A_98 : vector<128x64xf32>
    %reduce_sum3A_100 = arith.constant dense<0.000000e+00> : vector<64xf32>
    %reduce_sum3A_101 = vector.multi_reduction <add>, %slice3A_95, %reduce_sum3A_100 [0] : vector<128x64xf32> to vector<64xf32>
    %broadcast_in_dim3A_102 = vector.shape_cast %reduce_sum3A_101 : vector<64xf32> to vector<1x64xf32>
    %add3A_103 = arith.addf %add3A_94, %broadcast_in_dim3A_102 : vector<1x64xf32>
    %slice3A_104 = vector.extract_strided_slice %convert_element_type3A_17 {offsets = [1152, 0], sizes = [128, 64], strides = [1, 1]} : vector<2048x64xf32> to vector<128x64xf32>
    %dot_general3A_105 = arith.constant dense<0.000000e+00> : vector<128x64xf32>
    %dot_general3A_106 = tpu.matmul %convert_element_type3A_21, %slice3A_104, %dot_general3A_105 {dimension_numbers = #tpu.dot_dimension_numbers<[1], [0], [0], [1], [0, 0, 1, 1], [], []>, transpose_lhs_hint = false} : vector<128x128xf32>, vector<128x64xf32>, vector<128x64xf32> -> vector<128x64xf32>
    %add3A_107 = vector.broadcast %add3A_103 : vector<1x64xf32> to vector<128x64xf32>
    %add3A_108 = arith.addf %dot_general3A_106, %add3A_107 : vector<128x64xf32>
    %reduce_sum3A_109 = arith.constant dense<0.000000e+00> : vector<64xf32>
    %reduce_sum3A_110 = vector.multi_reduction <add>, %slice3A_104, %reduce_sum3A_109 [0] : vector<128x64xf32> to vector<64xf32>
    %broadcast_in_dim3A_111 = vector.shape_cast %reduce_sum3A_110 : vector<64xf32> to vector<1x64xf32>
    %add3A_112 = arith.addf %add3A_103, %broadcast_in_dim3A_111 : vector<1x64xf32>
    %slice3A_113 = vector.extract_strided_slice %convert_element_type3A_17 {offsets = [1280, 0], sizes = [128, 64], strides = [1, 1]} : vector<2048x64xf32> to vector<128x64xf32>
    %dot_general3A_114 = arith.constant dense<0.000000e+00> : vector<128x64xf32>
    %dot_general3A_115 = tpu.matmul %convert_element_type3A_21, %slice3A_113, %dot_general3A_114 {dimension_numbers = #tpu.dot_dimension_numbers<[1], [0], [0], [1], [0, 0, 1, 1], [], []>, transpose_lhs_hint = false} : vector<128x128xf32>, vector<128x64xf32>, vector<128x64xf32> -> vector<128x64xf32>
    %add3A_116 = vector.broadcast %add3A_112 : vector<1x64xf32> to vector<128x64xf32>
    %add3A_117 = arith.addf %dot_general3A_115, %add3A_116 : vector<128x64xf32>
    %reduce_sum3A_118 = arith.constant dense<0.000000e+00> : vector<64xf32>
    %reduce_sum3A_119 = vector.multi_reduction <add>, %slice3A_113, %reduce_sum3A_118 [0] : vector<128x64xf32> to vector<64xf32>
    %broadcast_in_dim3A_120 = vector.shape_cast %reduce_sum3A_119 : vector<64xf32> to vector<1x64xf32>
    %add3A_121 = arith.addf %add3A_112, %broadcast_in_dim3A_120 : vector<1x64xf32>
    %slice3A_122 = vector.extract_strided_slice %convert_element_type3A_17 {offsets = [1408, 0], sizes = [128, 64], strides = [1, 1]} : vector<2048x64xf32> to vector<128x64xf32>
    %dot_general3A_123 = arith.constant dense<0.000000e+00> : vector<128x64xf32>
    %dot_general3A_124 = tpu.matmul %convert_element_type3A_21, %slice3A_122, %dot_general3A_123 {dimension_numbers = #tpu.dot_dimension_numbers<[1], [0], [0], [1], [0, 0, 1, 1], [], []>, transpose_lhs_hint = false} : vector<128x128xf32>, vector<128x64xf32>, vector<128x64xf32> -> vector<128x64xf32>
    %add3A_125 = vector.broadcast %add3A_121 : vector<1x64xf32> to vector<128x64xf32>
    %add3A_126 = arith.addf %dot_general3A_124, %add3A_125 : vector<128x64xf32>
    %reduce_sum3A_127 = arith.constant dense<0.000000e+00> : vector<64xf32>
    %reduce_sum3A_128 = vector.multi_reduction <add>, %slice3A_122, %reduce_sum3A_127 [0] : vector<128x64xf32> to vector<64xf32>
    %broadcast_in_dim3A_129 = vector.shape_cast %reduce_sum3A_128 : vector<64xf32> to vector<1x64xf32>
    %add3A_130 = arith.addf %add3A_121, %broadcast_in_dim3A_129 : vector<1x64xf32>
    %slice3A_131 = vector.extract_strided_slice %convert_element_type3A_17 {offsets = [1536, 0], sizes = [128, 64], strides = [1, 1]} : vector<2048x64xf32> to vector<128x64xf32>
    %dot_general3A_132 = arith.constant dense<0.000000e+00> : vector<128x64xf32>
    %dot_general3A_133 = tpu.matmul %convert_element_type3A_21, %slice3A_131, %dot_general3A_132 {dimension_numbers = #tpu.dot_dimension_numbers<[1], [0], [0], [1], [0, 0, 1, 1], [], []>, transpose_lhs_hint = false} : vector<128x128xf32>, vector<128x64xf32>, vector<128x64xf32> -> vector<128x64xf32>
    %add3A_134 = vector.broadcast %add3A_130 : vector<1x64xf32> to vector<128x64xf32>
    %add3A_135 = arith.addf %dot_general3A_133, %add3A_134 : vector<128x64xf32>
    %reduce_sum3A_136 = arith.constant dense<0.000000e+00> : vector<64xf32>
    %reduce_sum3A_137 = vector.multi_reduction <add>, %slice3A_131, %reduce_sum3A_136 [0] : vector<128x64xf32> to vector<64xf32>
    %broadcast_in_dim3A_138 = vector.shape_cast %reduce_sum3A_137 : vector<64xf32> to vector<1x64xf32>
    %add3A_139 = arith.addf %add3A_130, %broadcast_in_dim3A_138 : vector<1x64xf32>
    %slice3A_140 = vector.extract_strided_slice %convert_element_type3A_17 {offsets = [1664, 0], sizes = [128, 64], strides = [1, 1]} : vector<2048x64xf32> to vector<128x64xf32>
    %dot_general3A_141 = arith.constant dense<0.000000e+00> : vector<128x64xf32>
    %dot_general3A_142 = tpu.matmul %convert_element_type3A_21, %slice3A_140, %dot_general3A_141 {dimension_numbers = #tpu.dot_dimension_numbers<[1], [0], [0], [1], [0, 0, 1, 1], [], []>, transpose_lhs_hint = false} : vector<128x128xf32>, vector<128x64xf32>, vector<128x64xf32> -> vector<128x64xf32>
    %add3A_143 = vector.broadcast %add3A_139 : vector<1x64xf32> to vector<128x64xf32>
    %add3A_144 = arith.addf %dot_general3A_142, %add3A_143 : vector<128x64xf32>
    %reduce_sum3A_145 = arith.constant dense<0.000000e+00> : vector<64xf32>
    %reduce_sum3A_146 = vector.multi_reduction <add>, %slice3A_140, %reduce_sum3A_145 [0] : vector<128x64xf32> to vector<64xf32>
    %broadcast_in_dim3A_147 = vector.shape_cast %reduce_sum3A_146 : vector<64xf32> to vector<1x64xf32>
    %add3A_148 = arith.addf %add3A_139, %broadcast_in_dim3A_147 : vector<1x64xf32>
    %slice3A_149 = vector.extract_strided_slice %convert_element_type3A_17 {offsets = [1792, 0], sizes = [128, 64], strides = [1, 1]} : vector<2048x64xf32> to vector<128x64xf32>
    %dot_general3A_150 = arith.constant dense<0.000000e+00> : vector<128x64xf32>
    %dot_general3A_151 = tpu.matmul %convert_element_type3A_21, %slice3A_149, %dot_general3A_150 {dimension_numbers = #tpu.dot_dimension_numbers<[1], [0], [0], [1], [0, 0, 1, 1], [], []>, transpose_lhs_hint = false} : vector<128x128xf32>, vector<128x64xf32>, vector<128x64xf32> -> vector<128x64xf32>
    %add3A_152 = vector.broadcast %add3A_148 : vector<1x64xf32> to vector<128x64xf32>
    %add3A_153 = arith.addf %dot_general3A_151, %add3A_152 : vector<128x64xf32>
    %reduce_sum3A_154 = arith.constant dense<0.000000e+00> : vector<64xf32>
    %reduce_sum3A_155 = vector.multi_reduction <add>, %slice3A_149, %reduce_sum3A_154 [0] : vector<128x64xf32> to vector<64xf32>
    %broadcast_in_dim3A_156 = vector.shape_cast %reduce_sum3A_155 : vector<64xf32> to vector<1x64xf32>
    %add3A_157 = arith.addf %add3A_148, %broadcast_in_dim3A_156 : vector<1x64xf32>
    %slice3A_158 = vector.extract_strided_slice %convert_element_type3A_17 {offsets = [1920, 0], sizes = [128, 64], strides = [1, 1]} : vector<2048x64xf32> to vector<128x64xf32>
    %dot_general3A_159 = arith.constant dense<0.000000e+00> : vector<128x64xf32>
    %dot_general3A_160 = tpu.matmul %convert_element_type3A_21, %slice3A_158, %dot_general3A_159 {dimension_numbers = #tpu.dot_dimension_numbers<[1], [0], [0], [1], [0, 0, 1, 1], [], []>, transpose_lhs_hint = false} : vector<128x128xf32>, vector<128x64xf32>, vector<128x64xf32> -> vector<128x64xf32>
    %add3A_161 = vector.broadcast %add3A_157 : vector<1x64xf32> to vector<128x64xf32>
    %add3A_162 = arith.addf %dot_general3A_160, %add3A_161 : vector<128x64xf32>
    %reduce_sum3A_163 = arith.constant dense<0.000000e+00> : vector<64xf32>
    %reduce_sum3A_164 = vector.multi_reduction <add>, %slice3A_158, %reduce_sum3A_163 [0] : vector<128x64xf32> to vector<64xf32>
    %broadcast_in_dim3A_165 = vector.shape_cast %reduce_sum3A_164 : vector<64xf32> to vector<1x64xf32>
    %add3A_166 = arith.addf %add3A_157, %broadcast_in_dim3A_165 : vector<1x64xf32>
    %concatenate3A = tpu.concatenate %add3A_27, %add3A_36, %add3A_45, %add3A_54, %add3A_63, %add3A_72, %add3A_81, %add3A_90, %add3A_99, %add3A_108, %add3A_117, %add3A_126, %add3A_135, %add3A_144, %add3A_153, %add3A_162 in 0 : vector<128x64xf32>, vector<128x64xf32>, vector<128x64xf32>, vector<128x64xf32>, vector<128x64xf32>, vector<128x64xf32>, vector<128x64xf32>, vector<128x64xf32>, vector<128x64xf32>, vector<128x64xf32>, vector<128x64xf32>, vector<128x64xf32>, vector<128x64xf32>, vector<128x64xf32>, vector<128x64xf32>, vector<128x64xf32> -> vector<2048x64xf32>
    %mul3A = arith.mulf %concatenate3A, %convert_element_type3A_17 : vector<2048x64xf32>
    %reduce_sum3A_167 = arith.constant dense<0.000000e+00> : vector<2048xf32>
    %reduce_sum3A_168 = vector.multi_reduction <add>, %mul3A, %reduce_sum3A_167 [1] : vector<2048x64xf32> to vector<2048xf32>
    %convert_element_type3A_169 = arith.fptosi %reduce_sum3A_168 : vector<2048xf32> to vector<2048xi32>
    %broadcast_in_dim3A_170 = vector.shape_cast %convert_element_type3A_169 : vector<2048xi32> to vector<2048x1xi32>
    %min3A = arith.constant 63 : i32
    %min3A_171 = vector.broadcast %min3A : i32 to vector<2048x1xi32>
    %min3A_172 = arith.minsi %broadcast_in_dim3A_170, %min3A_171 : vector<2048x1xi32>
    %mul3A_173 = arith.constant 64 : i32
    %mul3A_174 = vector.broadcast %mul3A_173 : i32 to vector<2048x1xi32>
    %mul3A_175 = arith.muli %broadcast_in_dim3A_15, %mul3A_174 : vector<2048x1xi32>
    %add3A_176 = arith.addi %mul3A_175, %min3A_172 : vector<2048x1xi32>
    %swap3A = arith.constant 0 : index
    %swap3A_177 = arith.constant 0 : index
    %swap3A_178 = vector.load %arg3[%swap3A, %swap3A_177] : memref<2048x1xi32, #tpu.memory_space<vmem>>, vector<2048x1xi32>
    tpu.vector_store %arg3[%swap3A, %swap3A_177], %add3A_176 {strides = array<i32>} : memref<2048x1xi32, #tpu.memory_space<vmem>>, vector<2048x1xi32>,
    %le3A = arith.constant 6.400000e+01 : f32
    %le3A_179 = vector.broadcast %le3A : f32 to vector<1x64xf32>
    %le3A_180 = arith.cmpf ole, %add3A_166, %le3A_179 : vector<1x64xf32>
    %convert_element_type3A_181 = arith.extui %le3A_180 : vector<1x64xi1> to vector<1x64xi32>
    %convert_element_type3A_182 = arith.sitofp %convert_element_type3A_181 : vector<1x64xi32> to vector<1x64xf32>
    %mul3A_183 = arith.mulf %add3A_166, %convert_element_type3A_182 : vector<1x64xf32>
    %convert_element_type3A_184 = arith.fptosi %mul3A_183 : vector<1x64xf32> to vector<1x64xi32>
    %swap3A_185 = arith.constant 0 : index
    %swap3A_186 = arith.constant 0 : index
    %swap3A_187 = vector.load %arg4[%swap3A_185, %swap3A_186] : memref<1x64xi32, #tpu.memory_space<vmem>>, vector<1x64xi32>
    tpu.vector_store %arg4[%swap3A_185, %swap3A_186], %convert_element_type3A_184 {strides = array<i32>} : memref<1x64xi32, #tpu.memory_space<vmem>>, vector<1x64xi32>,
    return
  }
}

module attributes {stable_mosaic.version = 14 : i64} {
  func.func @_ffn_kernel(%arg0: i32, %arg1: memref<64x64xi32, #tpu.memory_space<smem>>, %arg2: memref<1x64xi32, #tpu.memory_space<smem>>, %arg3: memref<2048x768xf32, #tpu.memory_space<vmem>>, %arg4: memref<1x768x2048xf32, #tpu.memory_space<vmem>>, %arg5: memref<1x64x2048xf32, #tpu.memory_space<vmem>>, %arg6: memref<1x2048x768xf32, #tpu.memory_space<vmem>>, %arg7: memref<1x64x768xf32, #tpu.memory_space<vmem>>, %arg8: memref<2048x768xf32, #tpu.memory_space<vmem>>, %arg9: memref<64x768xf32, #tpu.memory_space<vmem>>) attributes {dimension_semantics = [#tpu.dimension_semantics<arbitrary>], iteration_bounds = array<i64: 64>, scalar_prefetch = 0 : i64, scratch_operands = 1 : i64, tpu.core_type = #tpu.core_type<tc>, window_params = [{transform_indices = @transform_0, window_bounds = array<i64: 64, 64>}, {transform_indices = @transform_1, window_bounds = array<i64: 1, 64>}, {pipeline_mode = #tpu.pipeline_mode<synchronous>, transform_indices = @transform_2, window_bounds = array<i64: 2048, 768>}, {transform_indices = @transform_3, window_bounds = array<i64: 1, 768, 2048>}, {pipeline_mode = #tpu.pipeline_mode<synchronous>, transform_indices = @transform_4, window_bounds = array<i64: 1, 64, 2048>}, {transform_indices = @transform_5, window_bounds = array<i64: 1, 2048, 768>}, {pipeline_mode = #tpu.pipeline_mode<synchronous>, transform_indices = @transform_6, window_bounds = array<i64: 1, 64, 768>}, {pipeline_mode = #tpu.pipeline_mode<synchronous>, transform_indices = @transform_7, window_bounds = array<i64: 2048, 768>}]} {
    %eq3A = arith.constant 0 : i32
    %eq3A_0 = arith.cmpi eq, %arg0, %eq3A : i32
    %convert_element_type3A = arith.extui %eq3A_0 : i1 to i32
    %cond3A = arith.constant 0 : i32
    %cond3A_1 = arith.cmpi ne, %convert_element_type3A, %cond3A : i32
    scf.if %cond3A_1 {
      %broadcast_in_dim3A = arith.constant 0.000000e+00 : f32
      %broadcast_in_dim3A_1188 = vector.broadcast %broadcast_in_dim3A : f32 to vector<2048x768xf32>
      %swap3A_1189 = arith.constant 0 : index
      %swap3A_1190 = arith.constant 0 : index
      %swap3A_1191 = vector.load %arg8[%swap3A_1189, %swap3A_1190] : memref<2048x768xf32, #tpu.memory_space<vmem>>, vector<2048x768xf32>
      tpu.vector_store %arg8[%swap3A_1189, %swap3A_1190], %broadcast_in_dim3A_1188 {strides = array<i32>} : memref<2048x768xf32, #tpu.memory_space<vmem>>, vector<2048x768xf32>,
    } else {
    }
    %get3A = arith.index_cast %arg0 : i32 to index
    %get3A_2 = arith.constant 0 : index
    %get3A_3 = memref.load %arg1[%get3A, %get3A_2] : memref<64x64xi32, #tpu.memory_space<smem>>
    %jit3A = arith.constant 0 : i32
    %jit3A_4 = arith.constant 2047 : i32
    %max3A = arith.maxsi %jit3A, %get3A_3 : i32
    %min3A = arith.minsi %jit3A_4, %max3A : i32
    %get3A_5 = arith.index_cast %min3A : i32 to index
    %get3A_6 = arith.constant 0 : index
    %get3A_7 = vector.load %arg3[%get3A_5, %get3A_6] : memref<2048x768xf32, #tpu.memory_space<vmem>>, vector<1x768xf32>
    %swap3A = arith.constant 0 : index
    %swap3A_8 = arith.constant 0 : index
    %swap3A_9 = vector.load %arg9[%swap3A, %swap3A_8] : memref<64x768xf32, #tpu.memory_space<vmem>>, vector<1x768xf32>
    tpu.vector_store %arg9[%swap3A, %swap3A_8], %get3A_7 {strides = array<i32>} : memref<64x768xf32, #tpu.memory_space<vmem>>, vector<1x768xf32>,
    %get3A_10 = arith.index_cast %arg0 : i32 to index
    %get3A_11 = arith.constant 1 : index
    %get3A_12 = memref.load %arg1[%get3A_10, %get3A_11] : memref<64x64xi32, #tpu.memory_space<smem>>
    %jit3A_13 = arith.constant 0 : i32
    %jit3A_14 = arith.constant 2047 : i32
    %max3A_15 = arith.maxsi %jit3A_13, %get3A_12 : i32
    %min3A_16 = arith.minsi %jit3A_14, %max3A_15 : i32
    %get3A_17 = arith.index_cast %min3A_16 : i32 to index
    %get3A_18 = arith.constant 0 : index
    %get3A_19 = vector.load %arg3[%get3A_17, %get3A_18] : memref<2048x768xf32, #tpu.memory_space<vmem>>, vector<1x768xf32>
    %swap3A_20 = arith.constant 1 : index
    %swap3A_21 = arith.constant 0 : index
    %swap3A_22 = vector.load %arg9[%swap3A_20, %swap3A_21] : memref<64x768xf32, #tpu.memory_space<vmem>>, vector<1x768xf32>
    tpu.vector_store %arg9[%swap3A_20, %swap3A_21], %get3A_19 {strides = array<i32>} : memref<64x768xf32, #tpu.memory_space<vmem>>, vector<1x768xf32>,
    %get3A_23 = arith.index_cast %arg0 : i32 to index
    %get3A_24 = arith.constant 2 : index
    %get3A_25 = memref.load %arg1[%get3A_23, %get3A_24] : memref<64x64xi32, #tpu.memory_space<smem>>
    %jit3A_26 = arith.constant 0 : i32
    %jit3A_27 = arith.constant 2047 : i32
    %max3A_28 = arith.maxsi %jit3A_26, %get3A_25 : i32
    %min3A_29 = arith.minsi %jit3A_27, %max3A_28 : i32
    %get3A_30 = arith.index_cast %min3A_29 : i32 to index
    %get3A_31 = arith.constant 0 : index
    %get3A_32 = vector.load %arg3[%get3A_30, %get3A_31] : memref<2048x768xf32, #tpu.memory_space<vmem>>, vector<1x768xf32>
    %swap3A_33 = arith.constant 2 : index
    %swap3A_34 = arith.constant 0 : index
    %swap3A_35 = vector.load %arg9[%swap3A_33, %swap3A_34] : memref<64x768xf32, #tpu.memory_space<vmem>>, vector<1x768xf32>
    tpu.vector_store %arg9[%swap3A_33, %swap3A_34], %get3A_32 {strides = array<i32>} : memref<64x768xf32, #tpu.memory_space<vmem>>, vector<1x768xf32>,
    %get3A_36 = arith.index_cast %arg0 : i32 to index
    %get3A_37 = arith.constant 3 : index
    %get3A_38 = memref.load %arg1[%get3A_36, %get3A_37] : memref<64x64xi32, #tpu.memory_space<smem>>
    %jit3A_39 = arith.constant 0 : i32
    %jit3A_40 = arith.constant 2047 : i32
    %max3A_41 = arith.maxsi %jit3A_39, %get3A_38 : i32
    %min3A_42 = arith.minsi %jit3A_40, %max3A_41 : i32
    %get3A_43 = arith.index_cast %min3A_42 : i32 to index
    %get3A_44 = arith.constant 0 : index
    %get3A_45 = vector.load %arg3[%get3A_43, %get3A_44] : memref<2048x768xf32, #tpu.memory_space<vmem>>, vector<1x768xf32>
    %swap3A_46 = arith.constant 3 : index
    %swap3A_47 = arith.constant 0 : index
    %swap3A_48 = vector.load %arg9[%swap3A_46, %swap3A_47] : memref<64x768xf32, #tpu.memory_space<vmem>>, vector<1x768xf32>
    tpu.vector_store %arg9[%swap3A_46, %swap3A_47], %get3A_45 {strides = array<i32>} : memref<64x768xf32, #tpu.memory_space<vmem>>, vector<1x768xf32>,
    %get3A_49 = arith.index_cast %arg0 : i32 to index
    %get3A_50 = arith.constant 4 : index
    %get3A_51 = memref.load %arg1[%get3A_49, %get3A_50] : memref<64x64xi32, #tpu.memory_space<smem>>
    %jit3A_52 = arith.constant 0 : i32
    %jit3A_53 = arith.constant 2047 : i32
    %max3A_54 = arith.maxsi %jit3A_52, %get3A_51 : i32
    %min3A_55 = arith.minsi %jit3A_53, %max3A_54 : i32
    %get3A_56 = arith.index_cast %min3A_55 : i32 to index
    %get3A_57 = arith.constant 0 : index
    %get3A_58 = vector.load %arg3[%get3A_56, %get3A_57] : memref<2048x768xf32, #tpu.memory_space<vmem>>, vector<1x768xf32>
    %swap3A_59 = arith.constant 4 : index
    %swap3A_60 = arith.constant 0 : index
    %swap3A_61 = vector.load %arg9[%swap3A_59, %swap3A_60] : memref<64x768xf32, #tpu.memory_space<vmem>>, vector<1x768xf32>
    tpu.vector_store %arg9[%swap3A_59, %swap3A_60], %get3A_58 {strides = array<i32>} : memref<64x768xf32, #tpu.memory_space<vmem>>, vector<1x768xf32>,
    %get3A_62 = arith.index_cast %arg0 : i32 to index
    %get3A_63 = arith.constant 5 : index
    %get3A_64 = memref.load %arg1[%get3A_62, %get3A_63] : memref<64x64xi32, #tpu.memory_space<smem>>
    %jit3A_65 = arith.constant 0 : i32
    %jit3A_66 = arith.constant 2047 : i32
    %max3A_67 = arith.maxsi %jit3A_65, %get3A_64 : i32
    %min3A_68 = arith.minsi %jit3A_66, %max3A_67 : i32
    %get3A_69 = arith.index_cast %min3A_68 : i32 to index
    %get3A_70 = arith.constant 0 : index
    %get3A_71 = vector.load %arg3[%get3A_69, %get3A_70] : memref<2048x768xf32, #tpu.memory_space<vmem>>, vector<1x768xf32>
    %swap3A_72 = arith.constant 5 : index
    %swap3A_73 = arith.constant 0 : index
    %swap3A_74 = vector.load %arg9[%swap3A_72, %swap3A_73] : memref<64x768xf32, #tpu.memory_space<vmem>>, vector<1x768xf32>
    tpu.vector_store %arg9[%swap3A_72, %swap3A_73], %get3A_71 {strides = array<i32>} : memref<64x768xf32, #tpu.memory_space<vmem>>, vector<1x768xf32>,
    %get3A_75 = arith.index_cast %arg0 : i32 to index
    %get3A_76 = arith.constant 6 : index
    %get3A_77 = memref.load %arg1[%get3A_75, %get3A_76] : memref<64x64xi32, #tpu.memory_space<smem>>
    %jit3A_78 = arith.constant 0 : i32
    %jit3A_79 = arith.constant 2047 : i32
    %max3A_80 = arith.maxsi %jit3A_78, %get3A_77 : i32
    %min3A_81 = arith.minsi %jit3A_79, %max3A_80 : i32
    %get3A_82 = arith.index_cast %min3A_81 : i32 to index
    %get3A_83 = arith.constant 0 : index
    %get3A_84 = vector.load %arg3[%get3A_82, %get3A_83] : memref<2048x768xf32, #tpu.memory_space<vmem>>, vector<1x768xf32>
    %swap3A_85 = arith.constant 6 : index
    %swap3A_86 = arith.constant 0 : index
    %swap3A_87 = vector.load %arg9[%swap3A_85, %swap3A_86] : memref<64x768xf32, #tpu.memory_space<vmem>>, vector<1x768xf32>
    tpu.vector_store %arg9[%swap3A_85, %swap3A_86], %get3A_84 {strides = array<i32>} : memref<64x768xf32, #tpu.memory_space<vmem>>, vector<1x768xf32>,
    %get3A_88 = arith.index_cast %arg0 : i32 to index
    %get3A_89 = arith.constant 7 : index
    %get3A_90 = memref.load %arg1[%get3A_88, %get3A_89] : memref<64x64xi32, #tpu.memory_space<smem>>
    %jit3A_91 = arith.constant 0 : i32
    %jit3A_92 = arith.constant 2047 : i32
    %max3A_93 = arith.maxsi %jit3A_91, %get3A_90 : i32
    %min3A_94 = arith.minsi %jit3A_92, %max3A_93 : i32
    %get3A_95 = arith.index_cast %min3A_94 : i32 to index
    %get3A_96 = arith.constant 0 : index
    %get3A_97 = vector.load %arg3[%get3A_95, %get3A_96] : memref<2048x768xf32, #tpu.memory_space<vmem>>, vector<1x768xf32>
    %swap3A_98 = arith.constant 7 : index
    %swap3A_99 = arith.constant 0 : index
    %swap3A_100 = vector.load %arg9[%swap3A_98, %swap3A_99] : memref<64x768xf32, #tpu.memory_space<vmem>>, vector<1x768xf32>
    tpu.vector_store %arg9[%swap3A_98, %swap3A_99], %get3A_97 {strides = array<i32>} : memref<64x768xf32, #tpu.memory_space<vmem>>, vector<1x768xf32>,
    %get3A_101 = arith.index_cast %arg0 : i32 to index
    %get3A_102 = arith.constant 8 : index
    %get3A_103 = memref.load %arg1[%get3A_101, %get3A_102] : memref<64x64xi32, #tpu.memory_space<smem>>
    %jit3A_104 = arith.constant 0 : i32
    %jit3A_105 = arith.constant 2047 : i32
    %max3A_106 = arith.maxsi %jit3A_104, %get3A_103 : i32
    %min3A_107 = arith.minsi %jit3A_105, %max3A_106 : i32
    %get3A_108 = arith.index_cast %min3A_107 : i32 to index
    %get3A_109 = arith.constant 0 : index
    %get3A_110 = vector.load %arg3[%get3A_108, %get3A_109] : memref<2048x768xf32, #tpu.memory_space<vmem>>, vector<1x768xf32>
    %swap3A_111 = arith.constant 8 : index
    %swap3A_112 = arith.constant 0 : index
    %swap3A_113 = vector.load %arg9[%swap3A_111, %swap3A_112] : memref<64x768xf32, #tpu.memory_space<vmem>>, vector<1x768xf32>
    tpu.vector_store %arg9[%swap3A_111, %swap3A_112], %get3A_110 {strides = array<i32>} : memref<64x768xf32, #tpu.memory_space<vmem>>, vector<1x768xf32>,
    %get3A_114 = arith.index_cast %arg0 : i32 to index
    %get3A_115 = arith.constant 9 : index
    %get3A_116 = memref.load %arg1[%get3A_114, %get3A_115] : memref<64x64xi32, #tpu.memory_space<smem>>
    %jit3A_117 = arith.constant 0 : i32
    %jit3A_118 = arith.constant 2047 : i32
    %max3A_119 = arith.maxsi %jit3A_117, %get3A_116 : i32
    %min3A_120 = arith.minsi %jit3A_118, %max3A_119 : i32
    %get3A_121 = arith.index_cast %min3A_120 : i32 to index
    %get3A_122 = arith.constant 0 : index
    %get3A_123 = vector.load %arg3[%get3A_121, %get3A_122] : memref<2048x768xf32, #tpu.memory_space<vmem>>, vector<1x768xf32>
    %swap3A_124 = arith.constant 9 : index
    %swap3A_125 = arith.constant 0 : index
    %swap3A_126 = vector.load %arg9[%swap3A_124, %swap3A_125] : memref<64x768xf32, #tpu.memory_space<vmem>>, vector<1x768xf32>
    tpu.vector_store %arg9[%swap3A_124, %swap3A_125], %get3A_123 {strides = array<i32>} : memref<64x768xf32, #tpu.memory_space<vmem>>, vector<1x768xf32>,
    %get3A_127 = arith.index_cast %arg0 : i32 to index
    %get3A_128 = arith.constant 10 : index
    %get3A_129 = memref.load %arg1[%get3A_127, %get3A_128] : memref<64x64xi32, #tpu.memory_space<smem>>
    %jit3A_130 = arith.constant 0 : i32
    %jit3A_131 = arith.constant 2047 : i32
    %max3A_132 = arith.maxsi %jit3A_130, %get3A_129 : i32
    %min3A_133 = arith.minsi %jit3A_131, %max3A_132 : i32
    %get3A_134 = arith.index_cast %min3A_133 : i32 to index
    %get3A_135 = arith.constant 0 : index
    %get3A_136 = vector.load %arg3[%get3A_134, %get3A_135] : memref<2048x768xf32, #tpu.memory_space<vmem>>, vector<1x768xf32>
    %swap3A_137 = arith.constant 10 : index
    %swap3A_138 = arith.constant 0 : index
    %swap3A_139 = vector.load %arg9[%swap3A_137, %swap3A_138] : memref<64x768xf32, #tpu.memory_space<vmem>>, vector<1x768xf32>
    tpu.vector_store %arg9[%swap3A_137, %swap3A_138], %get3A_136 {strides = array<i32>} : memref<64x768xf32, #tpu.memory_space<vmem>>, vector<1x768xf32>,
    %get3A_140 = arith.index_cast %arg0 : i32 to index
    %get3A_141 = arith.constant 11 : index
    %get3A_142 = memref.load %arg1[%get3A_140, %get3A_141] : memref<64x64xi32, #tpu.memory_space<smem>>
    %jit3A_143 = arith.constant 0 : i32
    %jit3A_144 = arith.constant 2047 : i32
    %max3A_145 = arith.maxsi %jit3A_143, %get3A_142 : i32
    %min3A_146 = arith.minsi %jit3A_144, %max3A_145 : i32
    %get3A_147 = arith.index_cast %min3A_146 : i32 to index
    %get3A_148 = arith.constant 0 : index
    %get3A_149 = vector.load %arg3[%get3A_147, %get3A_148] : memref<2048x768xf32, #tpu.memory_space<vmem>>, vector<1x768xf32>
    %swap3A_150 = arith.constant 11 : index
    %swap3A_151 = arith.constant 0 : index
    %swap3A_152 = vector.load %arg9[%swap3A_150, %swap3A_151] : memref<64x768xf32, #tpu.memory_space<vmem>>, vector<1x768xf32>
    tpu.vector_store %arg9[%swap3A_150, %swap3A_151], %get3A_149 {strides = array<i32>} : memref<64x768xf32, #tpu.memory_space<vmem>>, vector<1x768xf32>,
    %get3A_153 = arith.index_cast %arg0 : i32 to index
    %get3A_154 = arith.constant 12 : index
    %get3A_155 = memref.load %arg1[%get3A_153, %get3A_154] : memref<64x64xi32, #tpu.memory_space<smem>>
    %jit3A_156 = arith.constant 0 : i32
    %jit3A_157 = arith.constant 2047 : i32
    %max3A_158 = arith.maxsi %jit3A_156, %get3A_155 : i32
    %min3A_159 = arith.minsi %jit3A_157, %max3A_158 : i32
    %get3A_160 = arith.index_cast %min3A_159 : i32 to index
    %get3A_161 = arith.constant 0 : index
    %get3A_162 = vector.load %arg3[%get3A_160, %get3A_161] : memref<2048x768xf32, #tpu.memory_space<vmem>>, vector<1x768xf32>
    %swap3A_163 = arith.constant 12 : index
    %swap3A_164 = arith.constant 0 : index
    %swap3A_165 = vector.load %arg9[%swap3A_163, %swap3A_164] : memref<64x768xf32, #tpu.memory_space<vmem>>, vector<1x768xf32>
    tpu.vector_store %arg9[%swap3A_163, %swap3A_164], %get3A_162 {strides = array<i32>} : memref<64x768xf32, #tpu.memory_space<vmem>>, vector<1x768xf32>,
    %get3A_166 = arith.index_cast %arg0 : i32 to index
    %get3A_167 = arith.constant 13 : index
    %get3A_168 = memref.load %arg1[%get3A_166, %get3A_167] : memref<64x64xi32, #tpu.memory_space<smem>>
    %jit3A_169 = arith.constant 0 : i32
    %jit3A_170 = arith.constant 2047 : i32
    %max3A_171 = arith.maxsi %jit3A_169, %get3A_168 : i32
    %min3A_172 = arith.minsi %jit3A_170, %max3A_171 : i32
    %get3A_173 = arith.index_cast %min3A_172 : i32 to index
    %get3A_174 = arith.constant 0 : index
    %get3A_175 = vector.load %arg3[%get3A_173, %get3A_174] : memref<2048x768xf32, #tpu.memory_space<vmem>>, vector<1x768xf32>
    %swap3A_176 = arith.constant 13 : index
    %swap3A_177 = arith.constant 0 : index
    %swap3A_178 = vector.load %arg9[%swap3A_176, %swap3A_177] : memref<64x768xf32, #tpu.memory_space<vmem>>, vector<1x768xf32>
    tpu.vector_store %arg9[%swap3A_176, %swap3A_177], %get3A_175 {strides = array<i32>} : memref<64x768xf32, #tpu.memory_space<vmem>>, vector<1x768xf32>,
    %get3A_179 = arith.index_cast %arg0 : i32 to index
    %get3A_180 = arith.constant 14 : index
    %get3A_181 = memref.load %arg1[%get3A_179, %get3A_180] : memref<64x64xi32, #tpu.memory_space<smem>>
    %jit3A_182 = arith.constant 0 : i32
    %jit3A_183 = arith.constant 2047 : i32
    %max3A_184 = arith.maxsi %jit3A_182, %get3A_181 : i32
    %min3A_185 = arith.minsi %jit3A_183, %max3A_184 : i32
    %get3A_186 = arith.index_cast %min3A_185 : i32 to index
    %get3A_187 = arith.constant 0 : index
    %get3A_188 = vector.load %arg3[%get3A_186, %get3A_187] : memref<2048x768xf32, #tpu.memory_space<vmem>>, vector<1x768xf32>
    %swap3A_189 = arith.constant 14 : index
    %swap3A_190 = arith.constant 0 : index
    %swap3A_191 = vector.load %arg9[%swap3A_189, %swap3A_190] : memref<64x768xf32, #tpu.memory_space<vmem>>, vector<1x768xf32>
    tpu.vector_store %arg9[%swap3A_189, %swap3A_190], %get3A_188 {strides = array<i32>} : memref<64x768xf32, #tpu.memory_space<vmem>>, vector<1x768xf32>,
    %get3A_192 = arith.index_cast %arg0 : i32 to index
    %get3A_193 = arith.constant 15 : index
    %get3A_194 = memref.load %arg1[%get3A_192, %get3A_193] : memref<64x64xi32, #tpu.memory_space<smem>>
    %jit3A_195 = arith.constant 0 : i32
    %jit3A_196 = arith.constant 2047 : i32
    %max3A_197 = arith.maxsi %jit3A_195, %get3A_194 : i32
    %min3A_198 = arith.minsi %jit3A_196, %max3A_197 : i32
    %get3A_199 = arith.index_cast %min3A_198 : i32 to index
    %get3A_200 = arith.constant 0 : index
    %get3A_201 = vector.load %arg3[%get3A_199, %get3A_200] : memref<2048x768xf32, #tpu.memory_space<vmem>>, vector<1x768xf32>
    %swap3A_202 = arith.constant 15 : index
    %swap3A_203 = arith.constant 0 : index
    %swap3A_204 = vector.load %arg9[%swap3A_202, %swap3A_203] : memref<64x768xf32, #tpu.memory_space<vmem>>, vector<1x768xf32>
    tpu.vector_store %arg9[%swap3A_202, %swap3A_203], %get3A_201 {strides = array<i32>} : memref<64x768xf32, #tpu.memory_space<vmem>>, vector<1x768xf32>,
    %get3A_205 = arith.index_cast %arg0 : i32 to index
    %get3A_206 = arith.constant 16 : index
    %get3A_207 = memref.load %arg1[%get3A_205, %get3A_206] : memref<64x64xi32, #tpu.memory_space<smem>>
    %jit3A_208 = arith.constant 0 : i32
    %jit3A_209 = arith.constant 2047 : i32
    %max3A_210 = arith.maxsi %jit3A_208, %get3A_207 : i32
    %min3A_211 = arith.minsi %jit3A_209, %max3A_210 : i32
    %get3A_212 = arith.index_cast %min3A_211 : i32 to index
    %get3A_213 = arith.constant 0 : index
    %get3A_214 = vector.load %arg3[%get3A_212, %get3A_213] : memref<2048x768xf32, #tpu.memory_space<vmem>>, vector<1x768xf32>
    %swap3A_215 = arith.constant 16 : index
    %swap3A_216 = arith.constant 0 : index
    %swap3A_217 = vector.load %arg9[%swap3A_215, %swap3A_216] : memref<64x768xf32, #tpu.memory_space<vmem>>, vector<1x768xf32>
    tpu.vector_store %arg9[%swap3A_215, %swap3A_216], %get3A_214 {strides = array<i32>} : memref<64x768xf32, #tpu.memory_space<vmem>>, vector<1x768xf32>,
    %get3A_218 = arith.index_cast %arg0 : i32 to index
    %get3A_219 = arith.constant 17 : index
    %get3A_220 = memref.load %arg1[%get3A_218, %get3A_219] : memref<64x64xi32, #tpu.memory_space<smem>>
    %jit3A_221 = arith.constant 0 : i32
    %jit3A_222 = arith.constant 2047 : i32
    %max3A_223 = arith.maxsi %jit3A_221, %get3A_220 : i32
    %min3A_224 = arith.minsi %jit3A_222, %max3A_223 : i32
    %get3A_225 = arith.index_cast %min3A_224 : i32 to index
    %get3A_226 = arith.constant 0 : index
    %get3A_227 = vector.load %arg3[%get3A_225, %get3A_226] : memref<2048x768xf32, #tpu.memory_space<vmem>>, vector<1x768xf32>
    %swap3A_228 = arith.constant 17 : index
    %swap3A_229 = arith.constant 0 : index
    %swap3A_230 = vector.load %arg9[%swap3A_228, %swap3A_229] : memref<64x768xf32, #tpu.memory_space<vmem>>, vector<1x768xf32>
    tpu.vector_store %arg9[%swap3A_228, %swap3A_229], %get3A_227 {strides = array<i32>} : memref<64x768xf32, #tpu.memory_space<vmem>>, vector<1x768xf32>,
    %get3A_231 = arith.index_cast %arg0 : i32 to index
    %get3A_232 = arith.constant 18 : index
    %get3A_233 = memref.load %arg1[%get3A_231, %get3A_232] : memref<64x64xi32, #tpu.memory_space<smem>>
    %jit3A_234 = arith.constant 0 : i32
    %jit3A_235 = arith.constant 2047 : i32
    %max3A_236 = arith.maxsi %jit3A_234, %get3A_233 : i32
    %min3A_237 = arith.minsi %jit3A_235, %max3A_236 : i32
    %get3A_238 = arith.index_cast %min3A_237 : i32 to index
    %get3A_239 = arith.constant 0 : index
    %get3A_240 = vector.load %arg3[%get3A_238, %get3A_239] : memref<2048x768xf32, #tpu.memory_space<vmem>>, vector<1x768xf32>
    %swap3A_241 = arith.constant 18 : index
    %swap3A_242 = arith.constant 0 : index
    %swap3A_243 = vector.load %arg9[%swap3A_241, %swap3A_242] : memref<64x768xf32, #tpu.memory_space<vmem>>, vector<1x768xf32>
    tpu.vector_store %arg9[%swap3A_241, %swap3A_242], %get3A_240 {strides = array<i32>} : memref<64x768xf32, #tpu.memory_space<vmem>>, vector<1x768xf32>,
    %get3A_244 = arith.index_cast %arg0 : i32 to index
    %get3A_245 = arith.constant 19 : index
    %get3A_246 = memref.load %arg1[%get3A_244, %get3A_245] : memref<64x64xi32, #tpu.memory_space<smem>>
    %jit3A_247 = arith.constant 0 : i32
    %jit3A_248 = arith.constant 2047 : i32
    %max3A_249 = arith.maxsi %jit3A_247, %get3A_246 : i32
    %min3A_250 = arith.minsi %jit3A_248, %max3A_249 : i32
    %get3A_251 = arith.index_cast %min3A_250 : i32 to index
    %get3A_252 = arith.constant 0 : index
    %get3A_253 = vector.load %arg3[%get3A_251, %get3A_252] : memref<2048x768xf32, #tpu.memory_space<vmem>>, vector<1x768xf32>
    %swap3A_254 = arith.constant 19 : index
    %swap3A_255 = arith.constant 0 : index
    %swap3A_256 = vector.load %arg9[%swap3A_254, %swap3A_255] : memref<64x768xf32, #tpu.memory_space<vmem>>, vector<1x768xf32>
    tpu.vector_store %arg9[%swap3A_254, %swap3A_255], %get3A_253 {strides = array<i32>} : memref<64x768xf32, #tpu.memory_space<vmem>>, vector<1x768xf32>,
    %get3A_257 = arith.index_cast %arg0 : i32 to index
    %get3A_258 = arith.constant 20 : index
    %get3A_259 = memref.load %arg1[%get3A_257, %get3A_258] : memref<64x64xi32, #tpu.memory_space<smem>>
    %jit3A_260 = arith.constant 0 : i32
    %jit3A_261 = arith.constant 2047 : i32
    %max3A_262 = arith.maxsi %jit3A_260, %get3A_259 : i32
    %min3A_263 = arith.minsi %jit3A_261, %max3A_262 : i32
    %get3A_264 = arith.index_cast %min3A_263 : i32 to index
    %get3A_265 = arith.constant 0 : index
    %get3A_266 = vector.load %arg3[%get3A_264, %get3A_265] : memref<2048x768xf32, #tpu.memory_space<vmem>>, vector<1x768xf32>
    %swap3A_267 = arith.constant 20 : index
    %swap3A_268 = arith.constant 0 : index
    %swap3A_269 = vector.load %arg9[%swap3A_267, %swap3A_268] : memref<64x768xf32, #tpu.memory_space<vmem>>, vector<1x768xf32>
    tpu.vector_store %arg9[%swap3A_267, %swap3A_268], %get3A_266 {strides = array<i32>} : memref<64x768xf32, #tpu.memory_space<vmem>>, vector<1x768xf32>,
    %get3A_270 = arith.index_cast %arg0 : i32 to index
    %get3A_271 = arith.constant 21 : index
    %get3A_272 = memref.load %arg1[%get3A_270, %get3A_271] : memref<64x64xi32, #tpu.memory_space<smem>>
    %jit3A_273 = arith.constant 0 : i32
    %jit3A_274 = arith.constant 2047 : i32
    %max3A_275 = arith.maxsi %jit3A_273, %get3A_272 : i32
    %min3A_276 = arith.minsi %jit3A_274, %max3A_275 : i32
    %get3A_277 = arith.index_cast %min3A_276 : i32 to index
    %get3A_278 = arith.constant 0 : index
    %get3A_279 = vector.load %arg3[%get3A_277, %get3A_278] : memref<2048x768xf32, #tpu.memory_space<vmem>>, vector<1x768xf32>
    %swap3A_280 = arith.constant 21 : index
    %swap3A_281 = arith.constant 0 : index
    %swap3A_282 = vector.load %arg9[%swap3A_280, %swap3A_281] : memref<64x768xf32, #tpu.memory_space<vmem>>, vector<1x768xf32>
    tpu.vector_store %arg9[%swap3A_280, %swap3A_281], %get3A_279 {strides = array<i32>} : memref<64x768xf32, #tpu.memory_space<vmem>>, vector<1x768xf32>,
    %get3A_283 = arith.index_cast %arg0 : i32 to index
    %get3A_284 = arith.constant 22 : index
    %get3A_285 = memref.load %arg1[%get3A_283, %get3A_284] : memref<64x64xi32, #tpu.memory_space<smem>>
    %jit3A_286 = arith.constant 0 : i32
    %jit3A_287 = arith.constant 2047 : i32
    %max3A_288 = arith.maxsi %jit3A_286, %get3A_285 : i32
    %min3A_289 = arith.minsi %jit3A_287, %max3A_288 : i32
    %get3A_290 = arith.index_cast %min3A_289 : i32 to index
    %get3A_291 = arith.constant 0 : index
    %get3A_292 = vector.load %arg3[%get3A_290, %get3A_291] : memref<2048x768xf32, #tpu.memory_space<vmem>>, vector<1x768xf32>
    %swap3A_293 = arith.constant 22 : index
    %swap3A_294 = arith.constant 0 : index
    %swap3A_295 = vector.load %arg9[%swap3A_293, %swap3A_294] : memref<64x768xf32, #tpu.memory_space<vmem>>, vector<1x768xf32>
    tpu.vector_store %arg9[%swap3A_293, %swap3A_294], %get3A_292 {strides = array<i32>} : memref<64x768xf32, #tpu.memory_space<vmem>>, vector<1x768xf32>,
    %get3A_296 = arith.index_cast %arg0 : i32 to index
    %get3A_297 = arith.constant 23 : index
    %get3A_298 = memref.load %arg1[%get3A_296, %get3A_297] : memref<64x64xi32, #tpu.memory_space<smem>>
    %jit3A_299 = arith.constant 0 : i32
    %jit3A_300 = arith.constant 2047 : i32
    %max3A_301 = arith.maxsi %jit3A_299, %get3A_298 : i32
    %min3A_302 = arith.minsi %jit3A_300, %max3A_301 : i32
    %get3A_303 = arith.index_cast %min3A_302 : i32 to index
    %get3A_304 = arith.constant 0 : index
    %get3A_305 = vector.load %arg3[%get3A_303, %get3A_304] : memref<2048x768xf32, #tpu.memory_space<vmem>>, vector<1x768xf32>
    %swap3A_306 = arith.constant 23 : index
    %swap3A_307 = arith.constant 0 : index
    %swap3A_308 = vector.load %arg9[%swap3A_306, %swap3A_307] : memref<64x768xf32, #tpu.memory_space<vmem>>, vector<1x768xf32>
    tpu.vector_store %arg9[%swap3A_306, %swap3A_307], %get3A_305 {strides = array<i32>} : memref<64x768xf32, #tpu.memory_space<vmem>>, vector<1x768xf32>,
    %get3A_309 = arith.index_cast %arg0 : i32 to index
    %get3A_310 = arith.constant 24 : index
    %get3A_311 = memref.load %arg1[%get3A_309, %get3A_310] : memref<64x64xi32, #tpu.memory_space<smem>>
    %jit3A_312 = arith.constant 0 : i32
    %jit3A_313 = arith.constant 2047 : i32
    %max3A_314 = arith.maxsi %jit3A_312, %get3A_311 : i32
    %min3A_315 = arith.minsi %jit3A_313, %max3A_314 : i32
    %get3A_316 = arith.index_cast %min3A_315 : i32 to index
    %get3A_317 = arith.constant 0 : index
    %get3A_318 = vector.load %arg3[%get3A_316, %get3A_317] : memref<2048x768xf32, #tpu.memory_space<vmem>>, vector<1x768xf32>
    %swap3A_319 = arith.constant 24 : index
    %swap3A_320 = arith.constant 0 : index
    %swap3A_321 = vector.load %arg9[%swap3A_319, %swap3A_320] : memref<64x768xf32, #tpu.memory_space<vmem>>, vector<1x768xf32>
    tpu.vector_store %arg9[%swap3A_319, %swap3A_320], %get3A_318 {strides = array<i32>} : memref<64x768xf32, #tpu.memory_space<vmem>>, vector<1x768xf32>,
    %get3A_322 = arith.index_cast %arg0 : i32 to index
    %get3A_323 = arith.constant 25 : index
    %get3A_324 = memref.load %arg1[%get3A_322, %get3A_323] : memref<64x64xi32, #tpu.memory_space<smem>>
    %jit3A_325 = arith.constant 0 : i32
    %jit3A_326 = arith.constant 2047 : i32
    %max3A_327 = arith.maxsi %jit3A_325, %get3A_324 : i32
    %min3A_328 = arith.minsi %jit3A_326, %max3A_327 : i32
    %get3A_329 = arith.index_cast %min3A_328 : i32 to index
    %get3A_330 = arith.constant 0 : index
    %get3A_331 = vector.load %arg3[%get3A_329, %get3A_330] : memref<2048x768xf32, #tpu.memory_space<vmem>>, vector<1x768xf32>
    %swap3A_332 = arith.constant 25 : index
    %swap3A_333 = arith.constant 0 : index
    %swap3A_334 = vector.load %arg9[%swap3A_332, %swap3A_333] : memref<64x768xf32, #tpu.memory_space<vmem>>, vector<1x768xf32>
    tpu.vector_store %arg9[%swap3A_332, %swap3A_333], %get3A_331 {strides = array<i32>} : memref<64x768xf32, #tpu.memory_space<vmem>>, vector<1x768xf32>,
    %get3A_335 = arith.index_cast %arg0 : i32 to index
    %get3A_336 = arith.constant 26 : index
    %get3A_337 = memref.load %arg1[%get3A_335, %get3A_336] : memref<64x64xi32, #tpu.memory_space<smem>>
    %jit3A_338 = arith.constant 0 : i32
    %jit3A_339 = arith.constant 2047 : i32
    %max3A_340 = arith.maxsi %jit3A_338, %get3A_337 : i32
    %min3A_341 = arith.minsi %jit3A_339, %max3A_340 : i32
    %get3A_342 = arith.index_cast %min3A_341 : i32 to index
    %get3A_343 = arith.constant 0 : index
    %get3A_344 = vector.load %arg3[%get3A_342, %get3A_343] : memref<2048x768xf32, #tpu.memory_space<vmem>>, vector<1x768xf32>
    %swap3A_345 = arith.constant 26 : index
    %swap3A_346 = arith.constant 0 : index
    %swap3A_347 = vector.load %arg9[%swap3A_345, %swap3A_346] : memref<64x768xf32, #tpu.memory_space<vmem>>, vector<1x768xf32>
    tpu.vector_store %arg9[%swap3A_345, %swap3A_346], %get3A_344 {strides = array<i32>} : memref<64x768xf32, #tpu.memory_space<vmem>>, vector<1x768xf32>,
    %get3A_348 = arith.index_cast %arg0 : i32 to index
    %get3A_349 = arith.constant 27 : index
    %get3A_350 = memref.load %arg1[%get3A_348, %get3A_349] : memref<64x64xi32, #tpu.memory_space<smem>>
    %jit3A_351 = arith.constant 0 : i32
    %jit3A_352 = arith.constant 2047 : i32
    %max3A_353 = arith.maxsi %jit3A_351, %get3A_350 : i32
    %min3A_354 = arith.minsi %jit3A_352, %max3A_353 : i32
    %get3A_355 = arith.index_cast %min3A_354 : i32 to index
    %get3A_356 = arith.constant 0 : index
    %get3A_357 = vector.load %arg3[%get3A_355, %get3A_356] : memref<2048x768xf32, #tpu.memory_space<vmem>>, vector<1x768xf32>
    %swap3A_358 = arith.constant 27 : index
    %swap3A_359 = arith.constant 0 : index
    %swap3A_360 = vector.load %arg9[%swap3A_358, %swap3A_359] : memref<64x768xf32, #tpu.memory_space<vmem>>, vector<1x768xf32>
    tpu.vector_store %arg9[%swap3A_358, %swap3A_359], %get3A_357 {strides = array<i32>} : memref<64x768xf32, #tpu.memory_space<vmem>>, vector<1x768xf32>,
    %get3A_361 = arith.index_cast %arg0 : i32 to index
    %get3A_362 = arith.constant 28 : index
    %get3A_363 = memref.load %arg1[%get3A_361, %get3A_362] : memref<64x64xi32, #tpu.memory_space<smem>>
    %jit3A_364 = arith.constant 0 : i32
    %jit3A_365 = arith.constant 2047 : i32
    %max3A_366 = arith.maxsi %jit3A_364, %get3A_363 : i32
    %min3A_367 = arith.minsi %jit3A_365, %max3A_366 : i32
    %get3A_368 = arith.index_cast %min3A_367 : i32 to index
    %get3A_369 = arith.constant 0 : index
    %get3A_370 = vector.load %arg3[%get3A_368, %get3A_369] : memref<2048x768xf32, #tpu.memory_space<vmem>>, vector<1x768xf32>
    %swap3A_371 = arith.constant 28 : index
    %swap3A_372 = arith.constant 0 : index
    %swap3A_373 = vector.load %arg9[%swap3A_371, %swap3A_372] : memref<64x768xf32, #tpu.memory_space<vmem>>, vector<1x768xf32>
    tpu.vector_store %arg9[%swap3A_371, %swap3A_372], %get3A_370 {strides = array<i32>} : memref<64x768xf32, #tpu.memory_space<vmem>>, vector<1x768xf32>,
    %get3A_374 = arith.index_cast %arg0 : i32 to index
    %get3A_375 = arith.constant 29 : index
    %get3A_376 = memref.load %arg1[%get3A_374, %get3A_375] : memref<64x64xi32, #tpu.memory_space<smem>>
    %jit3A_377 = arith.constant 0 : i32
    %jit3A_378 = arith.constant 2047 : i32
    %max3A_379 = arith.maxsi %jit3A_377, %get3A_376 : i32
    %min3A_380 = arith.minsi %jit3A_378, %max3A_379 : i32
    %get3A_381 = arith.index_cast %min3A_380 : i32 to index
    %get3A_382 = arith.constant 0 : index
    %get3A_383 = vector.load %arg3[%get3A_381, %get3A_382] : memref<2048x768xf32, #tpu.memory_space<vmem>>, vector<1x768xf32>
    %swap3A_384 = arith.constant 29 : index
    %swap3A_385 = arith.constant 0 : index
    %swap3A_386 = vector.load %arg9[%swap3A_384, %swap3A_385] : memref<64x768xf32, #tpu.memory_space<vmem>>, vector<1x768xf32>
    tpu.vector_store %arg9[%swap3A_384, %swap3A_385], %get3A_383 {strides = array<i32>} : memref<64x768xf32, #tpu.memory_space<vmem>>, vector<1x768xf32>,
    %get3A_387 = arith.index_cast %arg0 : i32 to index
    %get3A_388 = arith.constant 30 : index
    %get3A_389 = memref.load %arg1[%get3A_387, %get3A_388] : memref<64x64xi32, #tpu.memory_space<smem>>
    %jit3A_390 = arith.constant 0 : i32
    %jit3A_391 = arith.constant 2047 : i32
    %max3A_392 = arith.maxsi %jit3A_390, %get3A_389 : i32
    %min3A_393 = arith.minsi %jit3A_391, %max3A_392 : i32
    %get3A_394 = arith.index_cast %min3A_393 : i32 to index
    %get3A_395 = arith.constant 0 : index
    %get3A_396 = vector.load %arg3[%get3A_394, %get3A_395] : memref<2048x768xf32, #tpu.memory_space<vmem>>, vector<1x768xf32>
    %swap3A_397 = arith.constant 30 : index
    %swap3A_398 = arith.constant 0 : index
    %swap3A_399 = vector.load %arg9[%swap3A_397, %swap3A_398] : memref<64x768xf32, #tpu.memory_space<vmem>>, vector<1x768xf32>
    tpu.vector_store %arg9[%swap3A_397, %swap3A_398], %get3A_396 {strides = array<i32>} : memref<64x768xf32, #tpu.memory_space<vmem>>, vector<1x768xf32>,
    %get3A_400 = arith.index_cast %arg0 : i32 to index
    %get3A_401 = arith.constant 31 : index
    %get3A_402 = memref.load %arg1[%get3A_400, %get3A_401] : memref<64x64xi32, #tpu.memory_space<smem>>
    %jit3A_403 = arith.constant 0 : i32
    %jit3A_404 = arith.constant 2047 : i32
    %max3A_405 = arith.maxsi %jit3A_403, %get3A_402 : i32
    %min3A_406 = arith.minsi %jit3A_404, %max3A_405 : i32
    %get3A_407 = arith.index_cast %min3A_406 : i32 to index
    %get3A_408 = arith.constant 0 : index
    %get3A_409 = vector.load %arg3[%get3A_407, %get3A_408] : memref<2048x768xf32, #tpu.memory_space<vmem>>, vector<1x768xf32>
    %swap3A_410 = arith.constant 31 : index
    %swap3A_411 = arith.constant 0 : index
    %swap3A_412 = vector.load %arg9[%swap3A_410, %swap3A_411] : memref<64x768xf32, #tpu.memory_space<vmem>>, vector<1x768xf32>
    tpu.vector_store %arg9[%swap3A_410, %swap3A_411], %get3A_409 {strides = array<i32>} : memref<64x768xf32, #tpu.memory_space<vmem>>, vector<1x768xf32>,
    %get3A_413 = arith.index_cast %arg0 : i32 to index
    %get3A_414 = arith.constant 32 : index
    %get3A_415 = memref.load %arg1[%get3A_413, %get3A_414] : memref<64x64xi32, #tpu.memory_space<smem>>
    %jit3A_416 = arith.constant 0 : i32
    %jit3A_417 = arith.constant 2047 : i32
    %max3A_418 = arith.maxsi %jit3A_416, %get3A_415 : i32
    %min3A_419 = arith.minsi %jit3A_417, %max3A_418 : i32
    %get3A_420 = arith.index_cast %min3A_419 : i32 to index
    %get3A_421 = arith.constant 0 : index
    %get3A_422 = vector.load %arg3[%get3A_420, %get3A_421] : memref<2048x768xf32, #tpu.memory_space<vmem>>, vector<1x768xf32>
    %swap3A_423 = arith.constant 32 : index
    %swap3A_424 = arith.constant 0 : index
    %swap3A_425 = vector.load %arg9[%swap3A_423, %swap3A_424] : memref<64x768xf32, #tpu.memory_space<vmem>>, vector<1x768xf32>
    tpu.vector_store %arg9[%swap3A_423, %swap3A_424], %get3A_422 {strides = array<i32>} : memref<64x768xf32, #tpu.memory_space<vmem>>, vector<1x768xf32>,
    %get3A_426 = arith.index_cast %arg0 : i32 to index
    %get3A_427 = arith.constant 33 : index
    %get3A_428 = memref.load %arg1[%get3A_426, %get3A_427] : memref<64x64xi32, #tpu.memory_space<smem>>
    %jit3A_429 = arith.constant 0 : i32
    %jit3A_430 = arith.constant 2047 : i32
    %max3A_431 = arith.maxsi %jit3A_429, %get3A_428 : i32
    %min3A_432 = arith.minsi %jit3A_430, %max3A_431 : i32
    %get3A_433 = arith.index_cast %min3A_432 : i32 to index
    %get3A_434 = arith.constant 0 : index
    %get3A_435 = vector.load %arg3[%get3A_433, %get3A_434] : memref<2048x768xf32, #tpu.memory_space<vmem>>, vector<1x768xf32>
    %swap3A_436 = arith.constant 33 : index
    %swap3A_437 = arith.constant 0 : index
    %swap3A_438 = vector.load %arg9[%swap3A_436, %swap3A_437] : memref<64x768xf32, #tpu.memory_space<vmem>>, vector<1x768xf32>
    tpu.vector_store %arg9[%swap3A_436, %swap3A_437], %get3A_435 {strides = array<i32>} : memref<64x768xf32, #tpu.memory_space<vmem>>, vector<1x768xf32>,
    %get3A_439 = arith.index_cast %arg0 : i32 to index
    %get3A_440 = arith.constant 34 : index
    %get3A_441 = memref.load %arg1[%get3A_439, %get3A_440] : memref<64x64xi32, #tpu.memory_space<smem>>
    %jit3A_442 = arith.constant 0 : i32
    %jit3A_443 = arith.constant 2047 : i32
    %max3A_444 = arith.maxsi %jit3A_442, %get3A_441 : i32
    %min3A_445 = arith.minsi %jit3A_443, %max3A_444 : i32
    %get3A_446 = arith.index_cast %min3A_445 : i32 to index
    %get3A_447 = arith.constant 0 : index
    %get3A_448 = vector.load %arg3[%get3A_446, %get3A_447] : memref<2048x768xf32, #tpu.memory_space<vmem>>, vector<1x768xf32>
    %swap3A_449 = arith.constant 34 : index
    %swap3A_450 = arith.constant 0 : index
    %swap3A_451 = vector.load %arg9[%swap3A_449, %swap3A_450] : memref<64x768xf32, #tpu.memory_space<vmem>>, vector<1x768xf32>
    tpu.vector_store %arg9[%swap3A_449, %swap3A_450], %get3A_448 {strides = array<i32>} : memref<64x768xf32, #tpu.memory_space<vmem>>, vector<1x768xf32>,
    %get3A_452 = arith.index_cast %arg0 : i32 to index
    %get3A_453 = arith.constant 35 : index
    %get3A_454 = memref.load %arg1[%get3A_452, %get3A_453] : memref<64x64xi32, #tpu.memory_space<smem>>
    %jit3A_455 = arith.constant 0 : i32
    %jit3A_456 = arith.constant 2047 : i32
    %max3A_457 = arith.maxsi %jit3A_455, %get3A_454 : i32
    %min3A_458 = arith.minsi %jit3A_456, %max3A_457 : i32
    %get3A_459 = arith.index_cast %min3A_458 : i32 to index
    %get3A_460 = arith.constant 0 : index
    %get3A_461 = vector.load %arg3[%get3A_459, %get3A_460] : memref<2048x768xf32, #tpu.memory_space<vmem>>, vector<1x768xf32>
    %swap3A_462 = arith.constant 35 : index
    %swap3A_463 = arith.constant 0 : index
    %swap3A_464 = vector.load %arg9[%swap3A_462, %swap3A_463] : memref<64x768xf32, #tpu.memory_space<vmem>>, vector<1x768xf32>
    tpu.vector_store %arg9[%swap3A_462, %swap3A_463], %get3A_461 {strides = array<i32>} : memref<64x768xf32, #tpu.memory_space<vmem>>, vector<1x768xf32>,
    %get3A_465 = arith.index_cast %arg0 : i32 to index
    %get3A_466 = arith.constant 36 : index
    %get3A_467 = memref.load %arg1[%get3A_465, %get3A_466] : memref<64x64xi32, #tpu.memory_space<smem>>
    %jit3A_468 = arith.constant 0 : i32
    %jit3A_469 = arith.constant 2047 : i32
    %max3A_470 = arith.maxsi %jit3A_468, %get3A_467 : i32
    %min3A_471 = arith.minsi %jit3A_469, %max3A_470 : i32
    %get3A_472 = arith.index_cast %min3A_471 : i32 to index
    %get3A_473 = arith.constant 0 : index
    %get3A_474 = vector.load %arg3[%get3A_472, %get3A_473] : memref<2048x768xf32, #tpu.memory_space<vmem>>, vector<1x768xf32>
    %swap3A_475 = arith.constant 36 : index
    %swap3A_476 = arith.constant 0 : index
    %swap3A_477 = vector.load %arg9[%swap3A_475, %swap3A_476] : memref<64x768xf32, #tpu.memory_space<vmem>>, vector<1x768xf32>
    tpu.vector_store %arg9[%swap3A_475, %swap3A_476], %get3A_474 {strides = array<i32>} : memref<64x768xf32, #tpu.memory_space<vmem>>, vector<1x768xf32>,
    %get3A_478 = arith.index_cast %arg0 : i32 to index
    %get3A_479 = arith.constant 37 : index
    %get3A_480 = memref.load %arg1[%get3A_478, %get3A_479] : memref<64x64xi32, #tpu.memory_space<smem>>
    %jit3A_481 = arith.constant 0 : i32
    %jit3A_482 = arith.constant 2047 : i32
    %max3A_483 = arith.maxsi %jit3A_481, %get3A_480 : i32
    %min3A_484 = arith.minsi %jit3A_482, %max3A_483 : i32
    %get3A_485 = arith.index_cast %min3A_484 : i32 to index
    %get3A_486 = arith.constant 0 : index
    %get3A_487 = vector.load %arg3[%get3A_485, %get3A_486] : memref<2048x768xf32, #tpu.memory_space<vmem>>, vector<1x768xf32>
    %swap3A_488 = arith.constant 37 : index
    %swap3A_489 = arith.constant 0 : index
    %swap3A_490 = vector.load %arg9[%swap3A_488, %swap3A_489] : memref<64x768xf32, #tpu.memory_space<vmem>>, vector<1x768xf32>
    tpu.vector_store %arg9[%swap3A_488, %swap3A_489], %get3A_487 {strides = array<i32>} : memref<64x768xf32, #tpu.memory_space<vmem>>, vector<1x768xf32>,
    %get3A_491 = arith.index_cast %arg0 : i32 to index
    %get3A_492 = arith.constant 38 : index
    %get3A_493 = memref.load %arg1[%get3A_491, %get3A_492] : memref<64x64xi32, #tpu.memory_space<smem>>
    %jit3A_494 = arith.constant 0 : i32
    %jit3A_495 = arith.constant 2047 : i32
    %max3A_496 = arith.maxsi %jit3A_494, %get3A_493 : i32
    %min3A_497 = arith.minsi %jit3A_495, %max3A_496 : i32
    %get3A_498 = arith.index_cast %min3A_497 : i32 to index
    %get3A_499 = arith.constant 0 : index
    %get3A_500 = vector.load %arg3[%get3A_498, %get3A_499] : memref<2048x768xf32, #tpu.memory_space<vmem>>, vector<1x768xf32>
    %swap3A_501 = arith.constant 38 : index
    %swap3A_502 = arith.constant 0 : index
    %swap3A_503 = vector.load %arg9[%swap3A_501, %swap3A_502] : memref<64x768xf32, #tpu.memory_space<vmem>>, vector<1x768xf32>
    tpu.vector_store %arg9[%swap3A_501, %swap3A_502], %get3A_500 {strides = array<i32>} : memref<64x768xf32, #tpu.memory_space<vmem>>, vector<1x768xf32>,
    %get3A_504 = arith.index_cast %arg0 : i32 to index
    %get3A_505 = arith.constant 39 : index
    %get3A_506 = memref.load %arg1[%get3A_504, %get3A_505] : memref<64x64xi32, #tpu.memory_space<smem>>
    %jit3A_507 = arith.constant 0 : i32
    %jit3A_508 = arith.constant 2047 : i32
    %max3A_509 = arith.maxsi %jit3A_507, %get3A_506 : i32
    %min3A_510 = arith.minsi %jit3A_508, %max3A_509 : i32
    %get3A_511 = arith.index_cast %min3A_510 : i32 to index
    %get3A_512 = arith.constant 0 : index
    %get3A_513 = vector.load %arg3[%get3A_511, %get3A_512] : memref<2048x768xf32, #tpu.memory_space<vmem>>, vector<1x768xf32>
    %swap3A_514 = arith.constant 39 : index
    %swap3A_515 = arith.constant 0 : index
    %swap3A_516 = vector.load %arg9[%swap3A_514, %swap3A_515] : memref<64x768xf32, #tpu.memory_space<vmem>>, vector<1x768xf32>
    tpu.vector_store %arg9[%swap3A_514, %swap3A_515], %get3A_513 {strides = array<i32>} : memref<64x768xf32, #tpu.memory_space<vmem>>, vector<1x768xf32>,
    %get3A_517 = arith.index_cast %arg0 : i32 to index
    %get3A_518 = arith.constant 40 : index
    %get3A_519 = memref.load %arg1[%get3A_517, %get3A_518] : memref<64x64xi32, #tpu.memory_space<smem>>
    %jit3A_520 = arith.constant 0 : i32
    %jit3A_521 = arith.constant 2047 : i32
    %max3A_522 = arith.maxsi %jit3A_520, %get3A_519 : i32
    %min3A_523 = arith.minsi %jit3A_521, %max3A_522 : i32
    %get3A_524 = arith.index_cast %min3A_523 : i32 to index
    %get3A_525 = arith.constant 0 : index
    %get3A_526 = vector.load %arg3[%get3A_524, %get3A_525] : memref<2048x768xf32, #tpu.memory_space<vmem>>, vector<1x768xf32>
    %swap3A_527 = arith.constant 40 : index
    %swap3A_528 = arith.constant 0 : index
    %swap3A_529 = vector.load %arg9[%swap3A_527, %swap3A_528] : memref<64x768xf32, #tpu.memory_space<vmem>>, vector<1x768xf32>
    tpu.vector_store %arg9[%swap3A_527, %swap3A_528], %get3A_526 {strides = array<i32>} : memref<64x768xf32, #tpu.memory_space<vmem>>, vector<1x768xf32>,
    %get3A_530 = arith.index_cast %arg0 : i32 to index
    %get3A_531 = arith.constant 41 : index
    %get3A_532 = memref.load %arg1[%get3A_530, %get3A_531] : memref<64x64xi32, #tpu.memory_space<smem>>
    %jit3A_533 = arith.constant 0 : i32
    %jit3A_534 = arith.constant 2047 : i32
    %max3A_535 = arith.maxsi %jit3A_533, %get3A_532 : i32
    %min3A_536 = arith.minsi %jit3A_534, %max3A_535 : i32
    %get3A_537 = arith.index_cast %min3A_536 : i32 to index
    %get3A_538 = arith.constant 0 : index
    %get3A_539 = vector.load %arg3[%get3A_537, %get3A_538] : memref<2048x768xf32, #tpu.memory_space<vmem>>, vector<1x768xf32>
    %swap3A_540 = arith.constant 41 : index
    %swap3A_541 = arith.constant 0 : index
    %swap3A_542 = vector.load %arg9[%swap3A_540, %swap3A_541] : memref<64x768xf32, #tpu.memory_space<vmem>>, vector<1x768xf32>
    tpu.vector_store %arg9[%swap3A_540, %swap3A_541], %get3A_539 {strides = array<i32>} : memref<64x768xf32, #tpu.memory_space<vmem>>, vector<1x768xf32>,
    %get3A_543 = arith.index_cast %arg0 : i32 to index
    %get3A_544 = arith.constant 42 : index
    %get3A_545 = memref.load %arg1[%get3A_543, %get3A_544] : memref<64x64xi32, #tpu.memory_space<smem>>
    %jit3A_546 = arith.constant 0 : i32
    %jit3A_547 = arith.constant 2047 : i32
    %max3A_548 = arith.maxsi %jit3A_546, %get3A_545 : i32
    %min3A_549 = arith.minsi %jit3A_547, %max3A_548 : i32
    %get3A_550 = arith.index_cast %min3A_549 : i32 to index
    %get3A_551 = arith.constant 0 : index
    %get3A_552 = vector.load %arg3[%get3A_550, %get3A_551] : memref<2048x768xf32, #tpu.memory_space<vmem>>, vector<1x768xf32>
    %swap3A_553 = arith.constant 42 : index
    %swap3A_554 = arith.constant 0 : index
    %swap3A_555 = vector.load %arg9[%swap3A_553, %swap3A_554] : memref<64x768xf32, #tpu.memory_space<vmem>>, vector<1x768xf32>
    tpu.vector_store %arg9[%swap3A_553, %swap3A_554], %get3A_552 {strides = array<i32>} : memref<64x768xf32, #tpu.memory_space<vmem>>, vector<1x768xf32>,
    %get3A_556 = arith.index_cast %arg0 : i32 to index
    %get3A_557 = arith.constant 43 : index
    %get3A_558 = memref.load %arg1[%get3A_556, %get3A_557] : memref<64x64xi32, #tpu.memory_space<smem>>
    %jit3A_559 = arith.constant 0 : i32
    %jit3A_560 = arith.constant 2047 : i32
    %max3A_561 = arith.maxsi %jit3A_559, %get3A_558 : i32
    %min3A_562 = arith.minsi %jit3A_560, %max3A_561 : i32
    %get3A_563 = arith.index_cast %min3A_562 : i32 to index
    %get3A_564 = arith.constant 0 : index
    %get3A_565 = vector.load %arg3[%get3A_563, %get3A_564] : memref<2048x768xf32, #tpu.memory_space<vmem>>, vector<1x768xf32>
    %swap3A_566 = arith.constant 43 : index
    %swap3A_567 = arith.constant 0 : index
    %swap3A_568 = vector.load %arg9[%swap3A_566, %swap3A_567] : memref<64x768xf32, #tpu.memory_space<vmem>>, vector<1x768xf32>
    tpu.vector_store %arg9[%swap3A_566, %swap3A_567], %get3A_565 {strides = array<i32>} : memref<64x768xf32, #tpu.memory_space<vmem>>, vector<1x768xf32>,
    %get3A_569 = arith.index_cast %arg0 : i32 to index
    %get3A_570 = arith.constant 44 : index
    %get3A_571 = memref.load %arg1[%get3A_569, %get3A_570] : memref<64x64xi32, #tpu.memory_space<smem>>
    %jit3A_572 = arith.constant 0 : i32
    %jit3A_573 = arith.constant 2047 : i32
    %max3A_574 = arith.maxsi %jit3A_572, %get3A_571 : i32
    %min3A_575 = arith.minsi %jit3A_573, %max3A_574 : i32
    %get3A_576 = arith.index_cast %min3A_575 : i32 to index
    %get3A_577 = arith.constant 0 : index
    %get3A_578 = vector.load %arg3[%get3A_576, %get3A_577] : memref<2048x768xf32, #tpu.memory_space<vmem>>, vector<1x768xf32>
    %swap3A_579 = arith.constant 44 : index
    %swap3A_580 = arith.constant 0 : index
    %swap3A_581 = vector.load %arg9[%swap3A_579, %swap3A_580] : memref<64x768xf32, #tpu.memory_space<vmem>>, vector<1x768xf32>
    tpu.vector_store %arg9[%swap3A_579, %swap3A_580], %get3A_578 {strides = array<i32>} : memref<64x768xf32, #tpu.memory_space<vmem>>, vector<1x768xf32>,
    %get3A_582 = arith.index_cast %arg0 : i32 to index
    %get3A_583 = arith.constant 45 : index
    %get3A_584 = memref.load %arg1[%get3A_582, %get3A_583] : memref<64x64xi32, #tpu.memory_space<smem>>
    %jit3A_585 = arith.constant 0 : i32
    %jit3A_586 = arith.constant 2047 : i32
    %max3A_587 = arith.maxsi %jit3A_585, %get3A_584 : i32
    %min3A_588 = arith.minsi %jit3A_586, %max3A_587 : i32
    %get3A_589 = arith.index_cast %min3A_588 : i32 to index
    %get3A_590 = arith.constant 0 : index
    %get3A_591 = vector.load %arg3[%get3A_589, %get3A_590] : memref<2048x768xf32, #tpu.memory_space<vmem>>, vector<1x768xf32>
    %swap3A_592 = arith.constant 45 : index
    %swap3A_593 = arith.constant 0 : index
    %swap3A_594 = vector.load %arg9[%swap3A_592, %swap3A_593] : memref<64x768xf32, #tpu.memory_space<vmem>>, vector<1x768xf32>
    tpu.vector_store %arg9[%swap3A_592, %swap3A_593], %get3A_591 {strides = array<i32>} : memref<64x768xf32, #tpu.memory_space<vmem>>, vector<1x768xf32>,
    %get3A_595 = arith.index_cast %arg0 : i32 to index
    %get3A_596 = arith.constant 46 : index
    %get3A_597 = memref.load %arg1[%get3A_595, %get3A_596] : memref<64x64xi32, #tpu.memory_space<smem>>
    %jit3A_598 = arith.constant 0 : i32
    %jit3A_599 = arith.constant 2047 : i32
    %max3A_600 = arith.maxsi %jit3A_598, %get3A_597 : i32
    %min3A_601 = arith.minsi %jit3A_599, %max3A_600 : i32
    %get3A_602 = arith.index_cast %min3A_601 : i32 to index
    %get3A_603 = arith.constant 0 : index
    %get3A_604 = vector.load %arg3[%get3A_602, %get3A_603] : memref<2048x768xf32, #tpu.memory_space<vmem>>, vector<1x768xf32>
    %swap3A_605 = arith.constant 46 : index
    %swap3A_606 = arith.constant 0 : index
    %swap3A_607 = vector.load %arg9[%swap3A_605, %swap3A_606] : memref<64x768xf32, #tpu.memory_space<vmem>>, vector<1x768xf32>
    tpu.vector_store %arg9[%swap3A_605, %swap3A_606], %get3A_604 {strides = array<i32>} : memref<64x768xf32, #tpu.memory_space<vmem>>, vector<1x768xf32>,
    %get3A_608 = arith.index_cast %arg0 : i32 to index
    %get3A_609 = arith.constant 47 : index
    %get3A_610 = memref.load %arg1[%get3A_608, %get3A_609] : memref<64x64xi32, #tpu.memory_space<smem>>
    %jit3A_611 = arith.constant 0 : i32
    %jit3A_612 = arith.constant 2047 : i32
    %max3A_613 = arith.maxsi %jit3A_611, %get3A_610 : i32
    %min3A_614 = arith.minsi %jit3A_612, %max3A_613 : i32
    %get3A_615 = arith.index_cast %min3A_614 : i32 to index
    %get3A_616 = arith.constant 0 : index
    %get3A_617 = vector.load %arg3[%get3A_615, %get3A_616] : memref<2048x768xf32, #tpu.memory_space<vmem>>, vector<1x768xf32>
    %swap3A_618 = arith.constant 47 : index
    %swap3A_619 = arith.constant 0 : index
    %swap3A_620 = vector.load %arg9[%swap3A_618, %swap3A_619] : memref<64x768xf32, #tpu.memory_space<vmem>>, vector<1x768xf32>
    tpu.vector_store %arg9[%swap3A_618, %swap3A_619], %get3A_617 {strides = array<i32>} : memref<64x768xf32, #tpu.memory_space<vmem>>, vector<1x768xf32>,
    %get3A_621 = arith.index_cast %arg0 : i32 to index
    %get3A_622 = arith.constant 48 : index
    %get3A_623 = memref.load %arg1[%get3A_621, %get3A_622] : memref<64x64xi32, #tpu.memory_space<smem>>
    %jit3A_624 = arith.constant 0 : i32
    %jit3A_625 = arith.constant 2047 : i32
    %max3A_626 = arith.maxsi %jit3A_624, %get3A_623 : i32
    %min3A_627 = arith.minsi %jit3A_625, %max3A_626 : i32
    %get3A_628 = arith.index_cast %min3A_627 : i32 to index
    %get3A_629 = arith.constant 0 : index
    %get3A_630 = vector.load %arg3[%get3A_628, %get3A_629] : memref<2048x768xf32, #tpu.memory_space<vmem>>, vector<1x768xf32>
    %swap3A_631 = arith.constant 48 : index
    %swap3A_632 = arith.constant 0 : index
    %swap3A_633 = vector.load %arg9[%swap3A_631, %swap3A_632] : memref<64x768xf32, #tpu.memory_space<vmem>>, vector<1x768xf32>
    tpu.vector_store %arg9[%swap3A_631, %swap3A_632], %get3A_630 {strides = array<i32>} : memref<64x768xf32, #tpu.memory_space<vmem>>, vector<1x768xf32>,
    %get3A_634 = arith.index_cast %arg0 : i32 to index
    %get3A_635 = arith.constant 49 : index
    %get3A_636 = memref.load %arg1[%get3A_634, %get3A_635] : memref<64x64xi32, #tpu.memory_space<smem>>
    %jit3A_637 = arith.constant 0 : i32
    %jit3A_638 = arith.constant 2047 : i32
    %max3A_639 = arith.maxsi %jit3A_637, %get3A_636 : i32
    %min3A_640 = arith.minsi %jit3A_638, %max3A_639 : i32
    %get3A_641 = arith.index_cast %min3A_640 : i32 to index
    %get3A_642 = arith.constant 0 : index
    %get3A_643 = vector.load %arg3[%get3A_641, %get3A_642] : memref<2048x768xf32, #tpu.memory_space<vmem>>, vector<1x768xf32>
    %swap3A_644 = arith.constant 49 : index
    %swap3A_645 = arith.constant 0 : index
    %swap3A_646 = vector.load %arg9[%swap3A_644, %swap3A_645] : memref<64x768xf32, #tpu.memory_space<vmem>>, vector<1x768xf32>
    tpu.vector_store %arg9[%swap3A_644, %swap3A_645], %get3A_643 {strides = array<i32>} : memref<64x768xf32, #tpu.memory_space<vmem>>, vector<1x768xf32>,
    %get3A_647 = arith.index_cast %arg0 : i32 to index
    %get3A_648 = arith.constant 50 : index
    %get3A_649 = memref.load %arg1[%get3A_647, %get3A_648] : memref<64x64xi32, #tpu.memory_space<smem>>
    %jit3A_650 = arith.constant 0 : i32
    %jit3A_651 = arith.constant 2047 : i32
    %max3A_652 = arith.maxsi %jit3A_650, %get3A_649 : i32
    %min3A_653 = arith.minsi %jit3A_651, %max3A_652 : i32
    %get3A_654 = arith.index_cast %min3A_653 : i32 to index
    %get3A_655 = arith.constant 0 : index
    %get3A_656 = vector.load %arg3[%get3A_654, %get3A_655] : memref<2048x768xf32, #tpu.memory_space<vmem>>, vector<1x768xf32>
    %swap3A_657 = arith.constant 50 : index
    %swap3A_658 = arith.constant 0 : index
    %swap3A_659 = vector.load %arg9[%swap3A_657, %swap3A_658] : memref<64x768xf32, #tpu.memory_space<vmem>>, vector<1x768xf32>
    tpu.vector_store %arg9[%swap3A_657, %swap3A_658], %get3A_656 {strides = array<i32>} : memref<64x768xf32, #tpu.memory_space<vmem>>, vector<1x768xf32>,
    %get3A_660 = arith.index_cast %arg0 : i32 to index
    %get3A_661 = arith.constant 51 : index
    %get3A_662 = memref.load %arg1[%get3A_660, %get3A_661] : memref<64x64xi32, #tpu.memory_space<smem>>
    %jit3A_663 = arith.constant 0 : i32
    %jit3A_664 = arith.constant 2047 : i32
    %max3A_665 = arith.maxsi %jit3A_663, %get3A_662 : i32
    %min3A_666 = arith.minsi %jit3A_664, %max3A_665 : i32
    %get3A_667 = arith.index_cast %min3A_666 : i32 to index
    %get3A_668 = arith.constant 0 : index
    %get3A_669 = vector.load %arg3[%get3A_667, %get3A_668] : memref<2048x768xf32, #tpu.memory_space<vmem>>, vector<1x768xf32>
    %swap3A_670 = arith.constant 51 : index
    %swap3A_671 = arith.constant 0 : index
    %swap3A_672 = vector.load %arg9[%swap3A_670, %swap3A_671] : memref<64x768xf32, #tpu.memory_space<vmem>>, vector<1x768xf32>
    tpu.vector_store %arg9[%swap3A_670, %swap3A_671], %get3A_669 {strides = array<i32>} : memref<64x768xf32, #tpu.memory_space<vmem>>, vector<1x768xf32>,
    %get3A_673 = arith.index_cast %arg0 : i32 to index
    %get3A_674 = arith.constant 52 : index
    %get3A_675 = memref.load %arg1[%get3A_673, %get3A_674] : memref<64x64xi32, #tpu.memory_space<smem>>
    %jit3A_676 = arith.constant 0 : i32
    %jit3A_677 = arith.constant 2047 : i32
    %max3A_678 = arith.maxsi %jit3A_676, %get3A_675 : i32
    %min3A_679 = arith.minsi %jit3A_677, %max3A_678 : i32
    %get3A_680 = arith.index_cast %min3A_679 : i32 to index
    %get3A_681 = arith.constant 0 : index
    %get3A_682 = vector.load %arg3[%get3A_680, %get3A_681] : memref<2048x768xf32, #tpu.memory_space<vmem>>, vector<1x768xf32>
    %swap3A_683 = arith.constant 52 : index
    %swap3A_684 = arith.constant 0 : index
    %swap3A_685 = vector.load %arg9[%swap3A_683, %swap3A_684] : memref<64x768xf32, #tpu.memory_space<vmem>>, vector<1x768xf32>
    tpu.vector_store %arg9[%swap3A_683, %swap3A_684], %get3A_682 {strides = array<i32>} : memref<64x768xf32, #tpu.memory_space<vmem>>, vector<1x768xf32>,
    %get3A_686 = arith.index_cast %arg0 : i32 to index
    %get3A_687 = arith.constant 53 : index
    %get3A_688 = memref.load %arg1[%get3A_686, %get3A_687] : memref<64x64xi32, #tpu.memory_space<smem>>
    %jit3A_689 = arith.constant 0 : i32
    %jit3A_690 = arith.constant 2047 : i32
    %max3A_691 = arith.maxsi %jit3A_689, %get3A_688 : i32
    %min3A_692 = arith.minsi %jit3A_690, %max3A_691 : i32
    %get3A_693 = arith.index_cast %min3A_692 : i32 to index
    %get3A_694 = arith.constant 0 : index
    %get3A_695 = vector.load %arg3[%get3A_693, %get3A_694] : memref<2048x768xf32, #tpu.memory_space<vmem>>, vector<1x768xf32>
    %swap3A_696 = arith.constant 53 : index
    %swap3A_697 = arith.constant 0 : index
    %swap3A_698 = vector.load %arg9[%swap3A_696, %swap3A_697] : memref<64x768xf32, #tpu.memory_space<vmem>>, vector<1x768xf32>
    tpu.vector_store %arg9[%swap3A_696, %swap3A_697], %get3A_695 {strides = array<i32>} : memref<64x768xf32, #tpu.memory_space<vmem>>, vector<1x768xf32>,
    %get3A_699 = arith.index_cast %arg0 : i32 to index
    %get3A_700 = arith.constant 54 : index
    %get3A_701 = memref.load %arg1[%get3A_699, %get3A_700] : memref<64x64xi32, #tpu.memory_space<smem>>
    %jit3A_702 = arith.constant 0 : i32
    %jit3A_703 = arith.constant 2047 : i32
    %max3A_704 = arith.maxsi %jit3A_702, %get3A_701 : i32
    %min3A_705 = arith.minsi %jit3A_703, %max3A_704 : i32
    %get3A_706 = arith.index_cast %min3A_705 : i32 to index
    %get3A_707 = arith.constant 0 : index
    %get3A_708 = vector.load %arg3[%get3A_706, %get3A_707] : memref<2048x768xf32, #tpu.memory_space<vmem>>, vector<1x768xf32>
    %swap3A_709 = arith.constant 54 : index
    %swap3A_710 = arith.constant 0 : index
    %swap3A_711 = vector.load %arg9[%swap3A_709, %swap3A_710] : memref<64x768xf32, #tpu.memory_space<vmem>>, vector<1x768xf32>
    tpu.vector_store %arg9[%swap3A_709, %swap3A_710], %get3A_708 {strides = array<i32>} : memref<64x768xf32, #tpu.memory_space<vmem>>, vector<1x768xf32>,
    %get3A_712 = arith.index_cast %arg0 : i32 to index
    %get3A_713 = arith.constant 55 : index
    %get3A_714 = memref.load %arg1[%get3A_712, %get3A_713] : memref<64x64xi32, #tpu.memory_space<smem>>
    %jit3A_715 = arith.constant 0 : i32
    %jit3A_716 = arith.constant 2047 : i32
    %max3A_717 = arith.maxsi %jit3A_715, %get3A_714 : i32
    %min3A_718 = arith.minsi %jit3A_716, %max3A_717 : i32
    %get3A_719 = arith.index_cast %min3A_718 : i32 to index
    %get3A_720 = arith.constant 0 : index
    %get3A_721 = vector.load %arg3[%get3A_719, %get3A_720] : memref<2048x768xf32, #tpu.memory_space<vmem>>, vector<1x768xf32>
    %swap3A_722 = arith.constant 55 : index
    %swap3A_723 = arith.constant 0 : index
    %swap3A_724 = vector.load %arg9[%swap3A_722, %swap3A_723] : memref<64x768xf32, #tpu.memory_space<vmem>>, vector<1x768xf32>
    tpu.vector_store %arg9[%swap3A_722, %swap3A_723], %get3A_721 {strides = array<i32>} : memref<64x768xf32, #tpu.memory_space<vmem>>, vector<1x768xf32>,
    %get3A_725 = arith.index_cast %arg0 : i32 to index
    %get3A_726 = arith.constant 56 : index
    %get3A_727 = memref.load %arg1[%get3A_725, %get3A_726] : memref<64x64xi32, #tpu.memory_space<smem>>
    %jit3A_728 = arith.constant 0 : i32
    %jit3A_729 = arith.constant 2047 : i32
    %max3A_730 = arith.maxsi %jit3A_728, %get3A_727 : i32
    %min3A_731 = arith.minsi %jit3A_729, %max3A_730 : i32
    %get3A_732 = arith.index_cast %min3A_731 : i32 to index
    %get3A_733 = arith.constant 0 : index
    %get3A_734 = vector.load %arg3[%get3A_732, %get3A_733] : memref<2048x768xf32, #tpu.memory_space<vmem>>, vector<1x768xf32>
    %swap3A_735 = arith.constant 56 : index
    %swap3A_736 = arith.constant 0 : index
    %swap3A_737 = vector.load %arg9[%swap3A_735, %swap3A_736] : memref<64x768xf32, #tpu.memory_space<vmem>>, vector<1x768xf32>
    tpu.vector_store %arg9[%swap3A_735, %swap3A_736], %get3A_734 {strides = array<i32>} : memref<64x768xf32, #tpu.memory_space<vmem>>, vector<1x768xf32>,
    %get3A_738 = arith.index_cast %arg0 : i32 to index
    %get3A_739 = arith.constant 57 : index
    %get3A_740 = memref.load %arg1[%get3A_738, %get3A_739] : memref<64x64xi32, #tpu.memory_space<smem>>
    %jit3A_741 = arith.constant 0 : i32
    %jit3A_742 = arith.constant 2047 : i32
    %max3A_743 = arith.maxsi %jit3A_741, %get3A_740 : i32
    %min3A_744 = arith.minsi %jit3A_742, %max3A_743 : i32
    %get3A_745 = arith.index_cast %min3A_744 : i32 to index
    %get3A_746 = arith.constant 0 : index
    %get3A_747 = vector.load %arg3[%get3A_745, %get3A_746] : memref<2048x768xf32, #tpu.memory_space<vmem>>, vector<1x768xf32>
    %swap3A_748 = arith.constant 57 : index
    %swap3A_749 = arith.constant 0 : index
    %swap3A_750 = vector.load %arg9[%swap3A_748, %swap3A_749] : memref<64x768xf32, #tpu.memory_space<vmem>>, vector<1x768xf32>
    tpu.vector_store %arg9[%swap3A_748, %swap3A_749], %get3A_747 {strides = array<i32>} : memref<64x768xf32, #tpu.memory_space<vmem>>, vector<1x768xf32>,
    %get3A_751 = arith.index_cast %arg0 : i32 to index
    %get3A_752 = arith.constant 58 : index
    %get3A_753 = memref.load %arg1[%get3A_751, %get3A_752] : memref<64x64xi32, #tpu.memory_space<smem>>
    %jit3A_754 = arith.constant 0 : i32
    %jit3A_755 = arith.constant 2047 : i32
    %max3A_756 = arith.maxsi %jit3A_754, %get3A_753 : i32
    %min3A_757 = arith.minsi %jit3A_755, %max3A_756 : i32
    %get3A_758 = arith.index_cast %min3A_757 : i32 to index
    %get3A_759 = arith.constant 0 : index
    %get3A_760 = vector.load %arg3[%get3A_758, %get3A_759] : memref<2048x768xf32, #tpu.memory_space<vmem>>, vector<1x768xf32>
    %swap3A_761 = arith.constant 58 : index
    %swap3A_762 = arith.constant 0 : index
    %swap3A_763 = vector.load %arg9[%swap3A_761, %swap3A_762] : memref<64x768xf32, #tpu.memory_space<vmem>>, vector<1x768xf32>
    tpu.vector_store %arg9[%swap3A_761, %swap3A_762], %get3A_760 {strides = array<i32>} : memref<64x768xf32, #tpu.memory_space<vmem>>, vector<1x768xf32>,
    %get3A_764 = arith.index_cast %arg0 : i32 to index
    %get3A_765 = arith.constant 59 : index
    %get3A_766 = memref.load %arg1[%get3A_764, %get3A_765] : memref<64x64xi32, #tpu.memory_space<smem>>
    %jit3A_767 = arith.constant 0 : i32
    %jit3A_768 = arith.constant 2047 : i32
    %max3A_769 = arith.maxsi %jit3A_767, %get3A_766 : i32
    %min3A_770 = arith.minsi %jit3A_768, %max3A_769 : i32
    %get3A_771 = arith.index_cast %min3A_770 : i32 to index
    %get3A_772 = arith.constant 0 : index
    %get3A_773 = vector.load %arg3[%get3A_771, %get3A_772] : memref<2048x768xf32, #tpu.memory_space<vmem>>, vector<1x768xf32>
    %swap3A_774 = arith.constant 59 : index
    %swap3A_775 = arith.constant 0 : index
    %swap3A_776 = vector.load %arg9[%swap3A_774, %swap3A_775] : memref<64x768xf32, #tpu.memory_space<vmem>>, vector<1x768xf32>
    tpu.vector_store %arg9[%swap3A_774, %swap3A_775], %get3A_773 {strides = array<i32>} : memref<64x768xf32, #tpu.memory_space<vmem>>, vector<1x768xf32>,
    %get3A_777 = arith.index_cast %arg0 : i32 to index
    %get3A_778 = arith.constant 60 : index
    %get3A_779 = memref.load %arg1[%get3A_777, %get3A_778] : memref<64x64xi32, #tpu.memory_space<smem>>
    %jit3A_780 = arith.constant 0 : i32
    %jit3A_781 = arith.constant 2047 : i32
    %max3A_782 = arith.maxsi %jit3A_780, %get3A_779 : i32
    %min3A_783 = arith.minsi %jit3A_781, %max3A_782 : i32
    %get3A_784 = arith.index_cast %min3A_783 : i32 to index
    %get3A_785 = arith.constant 0 : index
    %get3A_786 = vector.load %arg3[%get3A_784, %get3A_785] : memref<2048x768xf32, #tpu.memory_space<vmem>>, vector<1x768xf32>
    %swap3A_787 = arith.constant 60 : index
    %swap3A_788 = arith.constant 0 : index
    %swap3A_789 = vector.load %arg9[%swap3A_787, %swap3A_788] : memref<64x768xf32, #tpu.memory_space<vmem>>, vector<1x768xf32>
    tpu.vector_store %arg9[%swap3A_787, %swap3A_788], %get3A_786 {strides = array<i32>} : memref<64x768xf32, #tpu.memory_space<vmem>>, vector<1x768xf32>,
    %get3A_790 = arith.index_cast %arg0 : i32 to index
    %get3A_791 = arith.constant 61 : index
    %get3A_792 = memref.load %arg1[%get3A_790, %get3A_791] : memref<64x64xi32, #tpu.memory_space<smem>>
    %jit3A_793 = arith.constant 0 : i32
    %jit3A_794 = arith.constant 2047 : i32
    %max3A_795 = arith.maxsi %jit3A_793, %get3A_792 : i32
    %min3A_796 = arith.minsi %jit3A_794, %max3A_795 : i32
    %get3A_797 = arith.index_cast %min3A_796 : i32 to index
    %get3A_798 = arith.constant 0 : index
    %get3A_799 = vector.load %arg3[%get3A_797, %get3A_798] : memref<2048x768xf32, #tpu.memory_space<vmem>>, vector<1x768xf32>
    %swap3A_800 = arith.constant 61 : index
    %swap3A_801 = arith.constant 0 : index
    %swap3A_802 = vector.load %arg9[%swap3A_800, %swap3A_801] : memref<64x768xf32, #tpu.memory_space<vmem>>, vector<1x768xf32>
    tpu.vector_store %arg9[%swap3A_800, %swap3A_801], %get3A_799 {strides = array<i32>} : memref<64x768xf32, #tpu.memory_space<vmem>>, vector<1x768xf32>,
    %get3A_803 = arith.index_cast %arg0 : i32 to index
    %get3A_804 = arith.constant 62 : index
    %get3A_805 = memref.load %arg1[%get3A_803, %get3A_804] : memref<64x64xi32, #tpu.memory_space<smem>>
    %jit3A_806 = arith.constant 0 : i32
    %jit3A_807 = arith.constant 2047 : i32
    %max3A_808 = arith.maxsi %jit3A_806, %get3A_805 : i32
    %min3A_809 = arith.minsi %jit3A_807, %max3A_808 : i32
    %get3A_810 = arith.index_cast %min3A_809 : i32 to index
    %get3A_811 = arith.constant 0 : index
    %get3A_812 = vector.load %arg3[%get3A_810, %get3A_811] : memref<2048x768xf32, #tpu.memory_space<vmem>>, vector<1x768xf32>
    %swap3A_813 = arith.constant 62 : index
    %swap3A_814 = arith.constant 0 : index
    %swap3A_815 = vector.load %arg9[%swap3A_813, %swap3A_814] : memref<64x768xf32, #tpu.memory_space<vmem>>, vector<1x768xf32>
    tpu.vector_store %arg9[%swap3A_813, %swap3A_814], %get3A_812 {strides = array<i32>} : memref<64x768xf32, #tpu.memory_space<vmem>>, vector<1x768xf32>,
    %get3A_816 = arith.index_cast %arg0 : i32 to index
    %get3A_817 = arith.constant 63 : index
    %get3A_818 = memref.load %arg1[%get3A_816, %get3A_817] : memref<64x64xi32, #tpu.memory_space<smem>>
    %jit3A_819 = arith.constant 0 : i32
    %jit3A_820 = arith.constant 2047 : i32
    %max3A_821 = arith.maxsi %jit3A_819, %get3A_818 : i32
    %min3A_822 = arith.minsi %jit3A_820, %max3A_821 : i32
    %get3A_823 = arith.index_cast %min3A_822 : i32 to index
    %get3A_824 = arith.constant 0 : index
    %get3A_825 = vector.load %arg3[%get3A_823, %get3A_824] : memref<2048x768xf32, #tpu.memory_space<vmem>>, vector<1x768xf32>
    %swap3A_826 = arith.constant 63 : index
    %swap3A_827 = arith.constant 0 : index
    %swap3A_828 = vector.load %arg9[%swap3A_826, %swap3A_827] : memref<64x768xf32, #tpu.memory_space<vmem>>, vector<1x768xf32>
    tpu.vector_store %arg9[%swap3A_826, %swap3A_827], %get3A_825 {strides = array<i32>} : memref<64x768xf32, #tpu.memory_space<vmem>>, vector<1x768xf32>,
    %get3A_829 = arith.constant 0 : index
    %get3A_830 = arith.constant 0 : index
    %get3A_831 = vector.load %arg9[%get3A_829, %get3A_830] : memref<64x768xf32, #tpu.memory_space<vmem>>, vector<64x768xf32>
    %get3A_832 = arith.constant 0 : index
    %get3A_833 = arith.constant 0 : index
    %get3A_834 = arith.constant 0 : index
    %get3A_835 = vector.load %arg4[%get3A_832, %get3A_833, %get3A_834] : memref<1x768x2048xf32, #tpu.memory_space<vmem>>, vector<1x768x2048xf32>
    %get3A_836 = vector.shape_cast %get3A_835 : vector<1x768x2048xf32> to vector<768x2048xf32>
    %dot_general3A = arith.constant dense<0.000000e+00> : vector<64x2048xf32>
    %dot_general3A_837 = tpu.matmul %get3A_831, %get3A_836, %dot_general3A {dimension_numbers = #tpu.dot_dimension_numbers<[1], [0], [0], [1], [0, 0, 1, 1], [], []>, transpose_lhs_hint = false} : vector<64x768xf32>, vector<768x2048xf32>, vector<64x2048xf32> -> vector<64x2048xf32>
    %get3A_838 = arith.constant 0 : index
    %get3A_839 = arith.index_cast %arg0 : i32 to index
    %get3A_840 = arith.constant 0 : index
    %get3A_841 = vector.load %arg5[%get3A_838, %get3A_839, %get3A_840] : memref<1x64x2048xf32, #tpu.memory_space<vmem>>, vector<1x1x2048xf32>
    %squeeze3A = vector.shape_cast %get3A_841 : vector<1x1x2048xf32> to vector<1x2048xf32>
    %add3A = vector.broadcast %squeeze3A : vector<1x2048xf32> to vector<64x2048xf32>
    %add3A_842 = arith.addf %dot_general3A_837, %add3A : vector<64x2048xf32>
    %mul3A = arith.constant 5.000000e-01 : f32
    %mul3A_843 = vector.broadcast %mul3A : f32 to vector<64x2048xf32>
    %mul3A_844 = arith.mulf %mul3A_843, %add3A_842 : vector<64x2048xf32>
    %mul3A_845 = arith.constant 0.707106769 : f32
    %mul3A_846 = vector.broadcast %mul3A_845 : f32 to vector<64x2048xf32>
    %mul3A_847 = arith.mulf %add3A_842, %mul3A_846 : vector<64x2048xf32>
    %erf3A = math.erf %mul3A_847 : vector<64x2048xf32>
    %add3A_848 = arith.constant 1.000000e+00 : f32
    %add3A_849 = vector.broadcast %add3A_848 : f32 to vector<64x2048xf32>
    %add3A_850 = arith.addf %add3A_849, %erf3A : vector<64x2048xf32>
    %mul3A_851 = arith.mulf %mul3A_844, %add3A_850 : vector<64x2048xf32>
    %get3A_852 = arith.constant 0 : index
    %get3A_853 = arith.constant 0 : index
    %get3A_854 = arith.constant 0 : index
    %get3A_855 = vector.load %arg6[%get3A_852, %get3A_853, %get3A_854] : memref<1x2048x768xf32, #tpu.memory_space<vmem>>, vector<1x2048x768xf32>
    %get3A_856 = vector.shape_cast %get3A_855 : vector<1x2048x768xf32> to vector<2048x768xf32>
    %dot_general3A_857 = arith.constant dense<0.000000e+00> : vector<64x768xf32>
    %dot_general3A_858 = tpu.matmul %mul3A_851, %get3A_856, %dot_general3A_857 {dimension_numbers = #tpu.dot_dimension_numbers<[1], [0], [0], [1], [0, 0, 1, 1], [], []>, transpose_lhs_hint = false} : vector<64x2048xf32>, vector<2048x768xf32>, vector<64x768xf32> -> vector<64x768xf32>
    %get3A_859 = arith.constant 0 : index
    %get3A_860 = arith.index_cast %arg0 : i32 to index
    %get3A_861 = arith.constant 0 : index
    %get3A_862 = vector.load %arg7[%get3A_859, %get3A_860, %get3A_861] : memref<1x64x768xf32, #tpu.memory_space<vmem>>, vector<1x1x768xf32>
    %squeeze3A_863 = vector.shape_cast %get3A_862 : vector<1x1x768xf32> to vector<1x768xf32>
    %add3A_864 = vector.broadcast %squeeze3A_863 : vector<1x768xf32> to vector<64x768xf32>
    %add3A_865 = arith.addf %dot_general3A_858, %add3A_864 : vector<64x768xf32>
    %get3A_866 = arith.constant 0 : index
    %get3A_867 = arith.index_cast %arg0 : i32 to index
    %get3A_868 = memref.load %arg2[%get3A_866, %get3A_867] : memref<1x64xi32, #tpu.memory_space<smem>>
    %gt3A = arith.constant 0 : i32
    %gt3A_869 = arith.cmpi sgt, %get3A_868, %gt3A : i32
    %convert_element_type3A_870 = arith.extui %gt3A_869 : i1 to i32
    %cond3A_871 = arith.constant 0 : i32
    %cond3A_872 = arith.cmpi ne, %convert_element_type3A_870, %cond3A_871 : i32
    scf.if %cond3A_872 {
      %get3A_1188 = arith.index_cast %arg0 : i32 to index
      %get3A_1189 = arith.constant 0 : index
      %get3A_1190 = memref.load %arg1[%get3A_1188, %get3A_1189] : memref<64x64xi32, #tpu.memory_space<smem>>
      %jit3A_1191 = arith.constant 0 : i32
      %jit3A_1192 = arith.constant 2047 : i32
      %max3A_1193 = arith.maxsi %jit3A_1191, %get3A_1190 : i32
      %min3A_1194 = arith.minsi %jit3A_1192, %max3A_1193 : i32
      %slice3A = vector.extract_strided_slice %add3A_865 {offsets = [0, 0], sizes = [1, 768], strides = [1, 1]} : vector<64x768xf32> to vector<1x768xf32>
      %swap3A_1195 = arith.index_cast %min3A_1194 : i32 to index
      %swap3A_1196 = arith.constant 0 : index
      %swap3A_1197 = vector.load %arg8[%swap3A_1195, %swap3A_1196] : memref<2048x768xf32, #tpu.memory_space<vmem>>, vector<1x768xf32>
      tpu.vector_store %arg8[%swap3A_1195, %swap3A_1196], %slice3A {strides = array<i32>} : memref<2048x768xf32, #tpu.memory_space<vmem>>, vector<1x768xf32>,
    } else {
    }
    %gt3A_873 = arith.constant 1 : i32
    %gt3A_874 = arith.cmpi sgt, %get3A_868, %gt3A_873 : i32
    %convert_element_type3A_875 = arith.extui %gt3A_874 : i1 to i32
    %cond3A_876 = arith.constant 0 : i32
    %cond3A_877 = arith.cmpi ne, %convert_element_type3A_875, %cond3A_876 : i32
    scf.if %cond3A_877 {
      %get3A_1188 = arith.index_cast %arg0 : i32 to index
      %get3A_1189 = arith.constant 1 : index
      %get3A_1190 = memref.load %arg1[%get3A_1188, %get3A_1189] : memref<64x64xi32, #tpu.memory_space<smem>>
      %jit3A_1191 = arith.constant 0 : i32
      %jit3A_1192 = arith.constant 2047 : i32
      %max3A_1193 = arith.maxsi %jit3A_1191, %get3A_1190 : i32
      %min3A_1194 = arith.minsi %jit3A_1192, %max3A_1193 : i32
      %slice3A = vector.extract_strided_slice %add3A_865 {offsets = [1, 0], sizes = [1, 768], strides = [1, 1]} : vector<64x768xf32> to vector<1x768xf32>
      %swap3A_1195 = arith.index_cast %min3A_1194 : i32 to index
      %swap3A_1196 = arith.constant 0 : index
      %swap3A_1197 = vector.load %arg8[%swap3A_1195, %swap3A_1196] : memref<2048x768xf32, #tpu.memory_space<vmem>>, vector<1x768xf32>
      tpu.vector_store %arg8[%swap3A_1195, %swap3A_1196], %slice3A {strides = array<i32>} : memref<2048x768xf32, #tpu.memory_space<vmem>>, vector<1x768xf32>,
    } else {
    }
    %gt3A_878 = arith.constant 2 : i32
    %gt3A_879 = arith.cmpi sgt, %get3A_868, %gt3A_878 : i32
    %convert_element_type3A_880 = arith.extui %gt3A_879 : i1 to i32
    %cond3A_881 = arith.constant 0 : i32
    %cond3A_882 = arith.cmpi ne, %convert_element_type3A_880, %cond3A_881 : i32
    scf.if %cond3A_882 {
      %get3A_1188 = arith.index_cast %arg0 : i32 to index
      %get3A_1189 = arith.constant 2 : index
      %get3A_1190 = memref.load %arg1[%get3A_1188, %get3A_1189] : memref<64x64xi32, #tpu.memory_space<smem>>
      %jit3A_1191 = arith.constant 0 : i32
      %jit3A_1192 = arith.constant 2047 : i32
      %max3A_1193 = arith.maxsi %jit3A_1191, %get3A_1190 : i32
      %min3A_1194 = arith.minsi %jit3A_1192, %max3A_1193 : i32
      %slice3A = vector.extract_strided_slice %add3A_865 {offsets = [2, 0], sizes = [1, 768], strides = [1, 1]} : vector<64x768xf32> to vector<1x768xf32>
      %swap3A_1195 = arith.index_cast %min3A_1194 : i32 to index
      %swap3A_1196 = arith.constant 0 : index
      %swap3A_1197 = vector.load %arg8[%swap3A_1195, %swap3A_1196] : memref<2048x768xf32, #tpu.memory_space<vmem>>, vector<1x768xf32>
      tpu.vector_store %arg8[%swap3A_1195, %swap3A_1196], %slice3A {strides = array<i32>} : memref<2048x768xf32, #tpu.memory_space<vmem>>, vector<1x768xf32>,
    } else {
    }
    %gt3A_883 = arith.constant 3 : i32
    %gt3A_884 = arith.cmpi sgt, %get3A_868, %gt3A_883 : i32
    %convert_element_type3A_885 = arith.extui %gt3A_884 : i1 to i32
    %cond3A_886 = arith.constant 0 : i32
    %cond3A_887 = arith.cmpi ne, %convert_element_type3A_885, %cond3A_886 : i32
    scf.if %cond3A_887 {
      %get3A_1188 = arith.index_cast %arg0 : i32 to index
      %get3A_1189 = arith.constant 3 : index
      %get3A_1190 = memref.load %arg1[%get3A_1188, %get3A_1189] : memref<64x64xi32, #tpu.memory_space<smem>>
      %jit3A_1191 = arith.constant 0 : i32
      %jit3A_1192 = arith.constant 2047 : i32
      %max3A_1193 = arith.maxsi %jit3A_1191, %get3A_1190 : i32
      %min3A_1194 = arith.minsi %jit3A_1192, %max3A_1193 : i32
      %slice3A = vector.extract_strided_slice %add3A_865 {offsets = [3, 0], sizes = [1, 768], strides = [1, 1]} : vector<64x768xf32> to vector<1x768xf32>
      %swap3A_1195 = arith.index_cast %min3A_1194 : i32 to index
      %swap3A_1196 = arith.constant 0 : index
      %swap3A_1197 = vector.load %arg8[%swap3A_1195, %swap3A_1196] : memref<2048x768xf32, #tpu.memory_space<vmem>>, vector<1x768xf32>
      tpu.vector_store %arg8[%swap3A_1195, %swap3A_1196], %slice3A {strides = array<i32>} : memref<2048x768xf32, #tpu.memory_space<vmem>>, vector<1x768xf32>,
    } else {
    }
    %gt3A_888 = arith.constant 4 : i32
    %gt3A_889 = arith.cmpi sgt, %get3A_868, %gt3A_888 : i32
    %convert_element_type3A_890 = arith.extui %gt3A_889 : i1 to i32
    %cond3A_891 = arith.constant 0 : i32
    %cond3A_892 = arith.cmpi ne, %convert_element_type3A_890, %cond3A_891 : i32
    scf.if %cond3A_892 {
      %get3A_1188 = arith.index_cast %arg0 : i32 to index
      %get3A_1189 = arith.constant 4 : index
      %get3A_1190 = memref.load %arg1[%get3A_1188, %get3A_1189] : memref<64x64xi32, #tpu.memory_space<smem>>
      %jit3A_1191 = arith.constant 0 : i32
      %jit3A_1192 = arith.constant 2047 : i32
      %max3A_1193 = arith.maxsi %jit3A_1191, %get3A_1190 : i32
      %min3A_1194 = arith.minsi %jit3A_1192, %max3A_1193 : i32
      %slice3A = vector.extract_strided_slice %add3A_865 {offsets = [4, 0], sizes = [1, 768], strides = [1, 1]} : vector<64x768xf32> to vector<1x768xf32>
      %swap3A_1195 = arith.index_cast %min3A_1194 : i32 to index
      %swap3A_1196 = arith.constant 0 : index
      %swap3A_1197 = vector.load %arg8[%swap3A_1195, %swap3A_1196] : memref<2048x768xf32, #tpu.memory_space<vmem>>, vector<1x768xf32>
      tpu.vector_store %arg8[%swap3A_1195, %swap3A_1196], %slice3A {strides = array<i32>} : memref<2048x768xf32, #tpu.memory_space<vmem>>, vector<1x768xf32>,
    } else {
    }
    %gt3A_893 = arith.constant 5 : i32
    %gt3A_894 = arith.cmpi sgt, %get3A_868, %gt3A_893 : i32
    %convert_element_type3A_895 = arith.extui %gt3A_894 : i1 to i32
    %cond3A_896 = arith.constant 0 : i32
    %cond3A_897 = arith.cmpi ne, %convert_element_type3A_895, %cond3A_896 : i32
    scf.if %cond3A_897 {
      %get3A_1188 = arith.index_cast %arg0 : i32 to index
      %get3A_1189 = arith.constant 5 : index
      %get3A_1190 = memref.load %arg1[%get3A_1188, %get3A_1189] : memref<64x64xi32, #tpu.memory_space<smem>>
      %jit3A_1191 = arith.constant 0 : i32
      %jit3A_1192 = arith.constant 2047 : i32
      %max3A_1193 = arith.maxsi %jit3A_1191, %get3A_1190 : i32
      %min3A_1194 = arith.minsi %jit3A_1192, %max3A_1193 : i32
      %slice3A = vector.extract_strided_slice %add3A_865 {offsets = [5, 0], sizes = [1, 768], strides = [1, 1]} : vector<64x768xf32> to vector<1x768xf32>
      %swap3A_1195 = arith.index_cast %min3A_1194 : i32 to index
      %swap3A_1196 = arith.constant 0 : index
      %swap3A_1197 = vector.load %arg8[%swap3A_1195, %swap3A_1196] : memref<2048x768xf32, #tpu.memory_space<vmem>>, vector<1x768xf32>
      tpu.vector_store %arg8[%swap3A_1195, %swap3A_1196], %slice3A {strides = array<i32>} : memref<2048x768xf32, #tpu.memory_space<vmem>>, vector<1x768xf32>,
    } else {
    }
    %gt3A_898 = arith.constant 6 : i32
    %gt3A_899 = arith.cmpi sgt, %get3A_868, %gt3A_898 : i32
    %convert_element_type3A_900 = arith.extui %gt3A_899 : i1 to i32
    %cond3A_901 = arith.constant 0 : i32
    %cond3A_902 = arith.cmpi ne, %convert_element_type3A_900, %cond3A_901 : i32
    scf.if %cond3A_902 {
      %get3A_1188 = arith.index_cast %arg0 : i32 to index
      %get3A_1189 = arith.constant 6 : index
      %get3A_1190 = memref.load %arg1[%get3A_1188, %get3A_1189] : memref<64x64xi32, #tpu.memory_space<smem>>
      %jit3A_1191 = arith.constant 0 : i32
      %jit3A_1192 = arith.constant 2047 : i32
      %max3A_1193 = arith.maxsi %jit3A_1191, %get3A_1190 : i32
      %min3A_1194 = arith.minsi %jit3A_1192, %max3A_1193 : i32
      %slice3A = vector.extract_strided_slice %add3A_865 {offsets = [6, 0], sizes = [1, 768], strides = [1, 1]} : vector<64x768xf32> to vector<1x768xf32>
      %swap3A_1195 = arith.index_cast %min3A_1194 : i32 to index
      %swap3A_1196 = arith.constant 0 : index
      %swap3A_1197 = vector.load %arg8[%swap3A_1195, %swap3A_1196] : memref<2048x768xf32, #tpu.memory_space<vmem>>, vector<1x768xf32>
      tpu.vector_store %arg8[%swap3A_1195, %swap3A_1196], %slice3A {strides = array<i32>} : memref<2048x768xf32, #tpu.memory_space<vmem>>, vector<1x768xf32>,
    } else {
    }
    %gt3A_903 = arith.constant 7 : i32
    %gt3A_904 = arith.cmpi sgt, %get3A_868, %gt3A_903 : i32
    %convert_element_type3A_905 = arith.extui %gt3A_904 : i1 to i32
    %cond3A_906 = arith.constant 0 : i32
    %cond3A_907 = arith.cmpi ne, %convert_element_type3A_905, %cond3A_906 : i32
    scf.if %cond3A_907 {
      %get3A_1188 = arith.index_cast %arg0 : i32 to index
      %get3A_1189 = arith.constant 7 : index
      %get3A_1190 = memref.load %arg1[%get3A_1188, %get3A_1189] : memref<64x64xi32, #tpu.memory_space<smem>>
      %jit3A_1191 = arith.constant 0 : i32
      %jit3A_1192 = arith.constant 2047 : i32
      %max3A_1193 = arith.maxsi %jit3A_1191, %get3A_1190 : i32
      %min3A_1194 = arith.minsi %jit3A_1192, %max3A_1193 : i32
      %slice3A = vector.extract_strided_slice %add3A_865 {offsets = [7, 0], sizes = [1, 768], strides = [1, 1]} : vector<64x768xf32> to vector<1x768xf32>
      %swap3A_1195 = arith.index_cast %min3A_1194 : i32 to index
      %swap3A_1196 = arith.constant 0 : index
      %swap3A_1197 = vector.load %arg8[%swap3A_1195, %swap3A_1196] : memref<2048x768xf32, #tpu.memory_space<vmem>>, vector<1x768xf32>
      tpu.vector_store %arg8[%swap3A_1195, %swap3A_1196], %slice3A {strides = array<i32>} : memref<2048x768xf32, #tpu.memory_space<vmem>>, vector<1x768xf32>,
    } else {
    }
    %gt3A_908 = arith.constant 8 : i32
    %gt3A_909 = arith.cmpi sgt, %get3A_868, %gt3A_908 : i32
    %convert_element_type3A_910 = arith.extui %gt3A_909 : i1 to i32
    %cond3A_911 = arith.constant 0 : i32
    %cond3A_912 = arith.cmpi ne, %convert_element_type3A_910, %cond3A_911 : i32
    scf.if %cond3A_912 {
      %get3A_1188 = arith.index_cast %arg0 : i32 to index
      %get3A_1189 = arith.constant 8 : index
      %get3A_1190 = memref.load %arg1[%get3A_1188, %get3A_1189] : memref<64x64xi32, #tpu.memory_space<smem>>
      %jit3A_1191 = arith.constant 0 : i32
      %jit3A_1192 = arith.constant 2047 : i32
      %max3A_1193 = arith.maxsi %jit3A_1191, %get3A_1190 : i32
      %min3A_1194 = arith.minsi %jit3A_1192, %max3A_1193 : i32
      %slice3A = vector.extract_strided_slice %add3A_865 {offsets = [8, 0], sizes = [1, 768], strides = [1, 1]} : vector<64x768xf32> to vector<1x768xf32>
      %swap3A_1195 = arith.index_cast %min3A_1194 : i32 to index
      %swap3A_1196 = arith.constant 0 : index
      %swap3A_1197 = vector.load %arg8[%swap3A_1195, %swap3A_1196] : memref<2048x768xf32, #tpu.memory_space<vmem>>, vector<1x768xf32>
      tpu.vector_store %arg8[%swap3A_1195, %swap3A_1196], %slice3A {strides = array<i32>} : memref<2048x768xf32, #tpu.memory_space<vmem>>, vector<1x768xf32>,
    } else {
    }
    %gt3A_913 = arith.constant 9 : i32
    %gt3A_914 = arith.cmpi sgt, %get3A_868, %gt3A_913 : i32
    %convert_element_type3A_915 = arith.extui %gt3A_914 : i1 to i32
    %cond3A_916 = arith.constant 0 : i32
    %cond3A_917 = arith.cmpi ne, %convert_element_type3A_915, %cond3A_916 : i32
    scf.if %cond3A_917 {
      %get3A_1188 = arith.index_cast %arg0 : i32 to index
      %get3A_1189 = arith.constant 9 : index
      %get3A_1190 = memref.load %arg1[%get3A_1188, %get3A_1189] : memref<64x64xi32, #tpu.memory_space<smem>>
      %jit3A_1191 = arith.constant 0 : i32
      %jit3A_1192 = arith.constant 2047 : i32
      %max3A_1193 = arith.maxsi %jit3A_1191, %get3A_1190 : i32
      %min3A_1194 = arith.minsi %jit3A_1192, %max3A_1193 : i32
      %slice3A = vector.extract_strided_slice %add3A_865 {offsets = [9, 0], sizes = [1, 768], strides = [1, 1]} : vector<64x768xf32> to vector<1x768xf32>
      %swap3A_1195 = arith.index_cast %min3A_1194 : i32 to index
      %swap3A_1196 = arith.constant 0 : index
      %swap3A_1197 = vector.load %arg8[%swap3A_1195, %swap3A_1196] : memref<2048x768xf32, #tpu.memory_space<vmem>>, vector<1x768xf32>
      tpu.vector_store %arg8[%swap3A_1195, %swap3A_1196], %slice3A {strides = array<i32>} : memref<2048x768xf32, #tpu.memory_space<vmem>>, vector<1x768xf32>,
    } else {
    }
    %gt3A_918 = arith.constant 10 : i32
    %gt3A_919 = arith.cmpi sgt, %get3A_868, %gt3A_918 : i32
    %convert_element_type3A_920 = arith.extui %gt3A_919 : i1 to i32
    %cond3A_921 = arith.constant 0 : i32
    %cond3A_922 = arith.cmpi ne, %convert_element_type3A_920, %cond3A_921 : i32
    scf.if %cond3A_922 {
      %get3A_1188 = arith.index_cast %arg0 : i32 to index
      %get3A_1189 = arith.constant 10 : index
      %get3A_1190 = memref.load %arg1[%get3A_1188, %get3A_1189] : memref<64x64xi32, #tpu.memory_space<smem>>
      %jit3A_1191 = arith.constant 0 : i32
      %jit3A_1192 = arith.constant 2047 : i32
      %max3A_1193 = arith.maxsi %jit3A_1191, %get3A_1190 : i32
      %min3A_1194 = arith.minsi %jit3A_1192, %max3A_1193 : i32
      %slice3A = vector.extract_strided_slice %add3A_865 {offsets = [10, 0], sizes = [1, 768], strides = [1, 1]} : vector<64x768xf32> to vector<1x768xf32>
      %swap3A_1195 = arith.index_cast %min3A_1194 : i32 to index
      %swap3A_1196 = arith.constant 0 : index
      %swap3A_1197 = vector.load %arg8[%swap3A_1195, %swap3A_1196] : memref<2048x768xf32, #tpu.memory_space<vmem>>, vector<1x768xf32>
      tpu.vector_store %arg8[%swap3A_1195, %swap3A_1196], %slice3A {strides = array<i32>} : memref<2048x768xf32, #tpu.memory_space<vmem>>, vector<1x768xf32>,
    } else {
    }
    %gt3A_923 = arith.constant 11 : i32
    %gt3A_924 = arith.cmpi sgt, %get3A_868, %gt3A_923 : i32
    %convert_element_type3A_925 = arith.extui %gt3A_924 : i1 to i32
    %cond3A_926 = arith.constant 0 : i32
    %cond3A_927 = arith.cmpi ne, %convert_element_type3A_925, %cond3A_926 : i32
    scf.if %cond3A_927 {
      %get3A_1188 = arith.index_cast %arg0 : i32 to index
      %get3A_1189 = arith.constant 11 : index
      %get3A_1190 = memref.load %arg1[%get3A_1188, %get3A_1189] : memref<64x64xi32, #tpu.memory_space<smem>>
      %jit3A_1191 = arith.constant 0 : i32
      %jit3A_1192 = arith.constant 2047 : i32
      %max3A_1193 = arith.maxsi %jit3A_1191, %get3A_1190 : i32
      %min3A_1194 = arith.minsi %jit3A_1192, %max3A_1193 : i32
      %slice3A = vector.extract_strided_slice %add3A_865 {offsets = [11, 0], sizes = [1, 768], strides = [1, 1]} : vector<64x768xf32> to vector<1x768xf32>
      %swap3A_1195 = arith.index_cast %min3A_1194 : i32 to index
      %swap3A_1196 = arith.constant 0 : index
      %swap3A_1197 = vector.load %arg8[%swap3A_1195, %swap3A_1196] : memref<2048x768xf32, #tpu.memory_space<vmem>>, vector<1x768xf32>
      tpu.vector_store %arg8[%swap3A_1195, %swap3A_1196], %slice3A {strides = array<i32>} : memref<2048x768xf32, #tpu.memory_space<vmem>>, vector<1x768xf32>,
    } else {
    }
    %gt3A_928 = arith.constant 12 : i32
    %gt3A_929 = arith.cmpi sgt, %get3A_868, %gt3A_928 : i32
    %convert_element_type3A_930 = arith.extui %gt3A_929 : i1 to i32
    %cond3A_931 = arith.constant 0 : i32
    %cond3A_932 = arith.cmpi ne, %convert_element_type3A_930, %cond3A_931 : i32
    scf.if %cond3A_932 {
      %get3A_1188 = arith.index_cast %arg0 : i32 to index
      %get3A_1189 = arith.constant 12 : index
      %get3A_1190 = memref.load %arg1[%get3A_1188, %get3A_1189] : memref<64x64xi32, #tpu.memory_space<smem>>
      %jit3A_1191 = arith.constant 0 : i32
      %jit3A_1192 = arith.constant 2047 : i32
      %max3A_1193 = arith.maxsi %jit3A_1191, %get3A_1190 : i32
      %min3A_1194 = arith.minsi %jit3A_1192, %max3A_1193 : i32
      %slice3A = vector.extract_strided_slice %add3A_865 {offsets = [12, 0], sizes = [1, 768], strides = [1, 1]} : vector<64x768xf32> to vector<1x768xf32>
      %swap3A_1195 = arith.index_cast %min3A_1194 : i32 to index
      %swap3A_1196 = arith.constant 0 : index
      %swap3A_1197 = vector.load %arg8[%swap3A_1195, %swap3A_1196] : memref<2048x768xf32, #tpu.memory_space<vmem>>, vector<1x768xf32>
      tpu.vector_store %arg8[%swap3A_1195, %swap3A_1196], %slice3A {strides = array<i32>} : memref<2048x768xf32, #tpu.memory_space<vmem>>, vector<1x768xf32>,
    } else {
    }
    %gt3A_933 = arith.constant 13 : i32
    %gt3A_934 = arith.cmpi sgt, %get3A_868, %gt3A_933 : i32
    %convert_element_type3A_935 = arith.extui %gt3A_934 : i1 to i32
    %cond3A_936 = arith.constant 0 : i32
    %cond3A_937 = arith.cmpi ne, %convert_element_type3A_935, %cond3A_936 : i32
    scf.if %cond3A_937 {
      %get3A_1188 = arith.index_cast %arg0 : i32 to index
      %get3A_1189 = arith.constant 13 : index
      %get3A_1190 = memref.load %arg1[%get3A_1188, %get3A_1189] : memref<64x64xi32, #tpu.memory_space<smem>>
      %jit3A_1191 = arith.constant 0 : i32
      %jit3A_1192 = arith.constant 2047 : i32
      %max3A_1193 = arith.maxsi %jit3A_1191, %get3A_1190 : i32
      %min3A_1194 = arith.minsi %jit3A_1192, %max3A_1193 : i32
      %slice3A = vector.extract_strided_slice %add3A_865 {offsets = [13, 0], sizes = [1, 768], strides = [1, 1]} : vector<64x768xf32> to vector<1x768xf32>
      %swap3A_1195 = arith.index_cast %min3A_1194 : i32 to index
      %swap3A_1196 = arith.constant 0 : index
      %swap3A_1197 = vector.load %arg8[%swap3A_1195, %swap3A_1196] : memref<2048x768xf32, #tpu.memory_space<vmem>>, vector<1x768xf32>
      tpu.vector_store %arg8[%swap3A_1195, %swap3A_1196], %slice3A {strides = array<i32>} : memref<2048x768xf32, #tpu.memory_space<vmem>>, vector<1x768xf32>,
    } else {
    }
    %gt3A_938 = arith.constant 14 : i32
    %gt3A_939 = arith.cmpi sgt, %get3A_868, %gt3A_938 : i32
    %convert_element_type3A_940 = arith.extui %gt3A_939 : i1 to i32
    %cond3A_941 = arith.constant 0 : i32
    %cond3A_942 = arith.cmpi ne, %convert_element_type3A_940, %cond3A_941 : i32
    scf.if %cond3A_942 {
      %get3A_1188 = arith.index_cast %arg0 : i32 to index
      %get3A_1189 = arith.constant 14 : index
      %get3A_1190 = memref.load %arg1[%get3A_1188, %get3A_1189] : memref<64x64xi32, #tpu.memory_space<smem>>
      %jit3A_1191 = arith.constant 0 : i32
      %jit3A_1192 = arith.constant 2047 : i32
      %max3A_1193 = arith.maxsi %jit3A_1191, %get3A_1190 : i32
      %min3A_1194 = arith.minsi %jit3A_1192, %max3A_1193 : i32
      %slice3A = vector.extract_strided_slice %add3A_865 {offsets = [14, 0], sizes = [1, 768], strides = [1, 1]} : vector<64x768xf32> to vector<1x768xf32>
      %swap3A_1195 = arith.index_cast %min3A_1194 : i32 to index
      %swap3A_1196 = arith.constant 0 : index
      %swap3A_1197 = vector.load %arg8[%swap3A_1195, %swap3A_1196] : memref<2048x768xf32, #tpu.memory_space<vmem>>, vector<1x768xf32>
      tpu.vector_store %arg8[%swap3A_1195, %swap3A_1196], %slice3A {strides = array<i32>} : memref<2048x768xf32, #tpu.memory_space<vmem>>, vector<1x768xf32>,
    } else {
    }
    %gt3A_943 = arith.constant 15 : i32
    %gt3A_944 = arith.cmpi sgt, %get3A_868, %gt3A_943 : i32
    %convert_element_type3A_945 = arith.extui %gt3A_944 : i1 to i32
    %cond3A_946 = arith.constant 0 : i32
    %cond3A_947 = arith.cmpi ne, %convert_element_type3A_945, %cond3A_946 : i32
    scf.if %cond3A_947 {
      %get3A_1188 = arith.index_cast %arg0 : i32 to index
      %get3A_1189 = arith.constant 15 : index
      %get3A_1190 = memref.load %arg1[%get3A_1188, %get3A_1189] : memref<64x64xi32, #tpu.memory_space<smem>>
      %jit3A_1191 = arith.constant 0 : i32
      %jit3A_1192 = arith.constant 2047 : i32
      %max3A_1193 = arith.maxsi %jit3A_1191, %get3A_1190 : i32
      %min3A_1194 = arith.minsi %jit3A_1192, %max3A_1193 : i32
      %slice3A = vector.extract_strided_slice %add3A_865 {offsets = [15, 0], sizes = [1, 768], strides = [1, 1]} : vector<64x768xf32> to vector<1x768xf32>
      %swap3A_1195 = arith.index_cast %min3A_1194 : i32 to index
      %swap3A_1196 = arith.constant 0 : index
      %swap3A_1197 = vector.load %arg8[%swap3A_1195, %swap3A_1196] : memref<2048x768xf32, #tpu.memory_space<vmem>>, vector<1x768xf32>
      tpu.vector_store %arg8[%swap3A_1195, %swap3A_1196], %slice3A {strides = array<i32>} : memref<2048x768xf32, #tpu.memory_space<vmem>>, vector<1x768xf32>,
    } else {
    }
    %gt3A_948 = arith.constant 16 : i32
    %gt3A_949 = arith.cmpi sgt, %get3A_868, %gt3A_948 : i32
    %convert_element_type3A_950 = arith.extui %gt3A_949 : i1 to i32
    %cond3A_951 = arith.constant 0 : i32
    %cond3A_952 = arith.cmpi ne, %convert_element_type3A_950, %cond3A_951 : i32
    scf.if %cond3A_952 {
      %get3A_1188 = arith.index_cast %arg0 : i32 to index
      %get3A_1189 = arith.constant 16 : index
      %get3A_1190 = memref.load %arg1[%get3A_1188, %get3A_1189] : memref<64x64xi32, #tpu.memory_space<smem>>
      %jit3A_1191 = arith.constant 0 : i32
      %jit3A_1192 = arith.constant 2047 : i32
      %max3A_1193 = arith.maxsi %jit3A_1191, %get3A_1190 : i32
      %min3A_1194 = arith.minsi %jit3A_1192, %max3A_1193 : i32
      %slice3A = vector.extract_strided_slice %add3A_865 {offsets = [16, 0], sizes = [1, 768], strides = [1, 1]} : vector<64x768xf32> to vector<1x768xf32>
      %swap3A_1195 = arith.index_cast %min3A_1194 : i32 to index
      %swap3A_1196 = arith.constant 0 : index
      %swap3A_1197 = vector.load %arg8[%swap3A_1195, %swap3A_1196] : memref<2048x768xf32, #tpu.memory_space<vmem>>, vector<1x768xf32>
      tpu.vector_store %arg8[%swap3A_1195, %swap3A_1196], %slice3A {strides = array<i32>} : memref<2048x768xf32, #tpu.memory_space<vmem>>, vector<1x768xf32>,
    } else {
    }
    %gt3A_953 = arith.constant 17 : i32
    %gt3A_954 = arith.cmpi sgt, %get3A_868, %gt3A_953 : i32
    %convert_element_type3A_955 = arith.extui %gt3A_954 : i1 to i32
    %cond3A_956 = arith.constant 0 : i32
    %cond3A_957 = arith.cmpi ne, %convert_element_type3A_955, %cond3A_956 : i32
    scf.if %cond3A_957 {
      %get3A_1188 = arith.index_cast %arg0 : i32 to index
      %get3A_1189 = arith.constant 17 : index
      %get3A_1190 = memref.load %arg1[%get3A_1188, %get3A_1189] : memref<64x64xi32, #tpu.memory_space<smem>>
      %jit3A_1191 = arith.constant 0 : i32
      %jit3A_1192 = arith.constant 2047 : i32
      %max3A_1193 = arith.maxsi %jit3A_1191, %get3A_1190 : i32
      %min3A_1194 = arith.minsi %jit3A_1192, %max3A_1193 : i32
      %slice3A = vector.extract_strided_slice %add3A_865 {offsets = [17, 0], sizes = [1, 768], strides = [1, 1]} : vector<64x768xf32> to vector<1x768xf32>
      %swap3A_1195 = arith.index_cast %min3A_1194 : i32 to index
      %swap3A_1196 = arith.constant 0 : index
      %swap3A_1197 = vector.load %arg8[%swap3A_1195, %swap3A_1196] : memref<2048x768xf32, #tpu.memory_space<vmem>>, vector<1x768xf32>
      tpu.vector_store %arg8[%swap3A_1195, %swap3A_1196], %slice3A {strides = array<i32>} : memref<2048x768xf32, #tpu.memory_space<vmem>>, vector<1x768xf32>,
    } else {
    }
    %gt3A_958 = arith.constant 18 : i32
    %gt3A_959 = arith.cmpi sgt, %get3A_868, %gt3A_958 : i32
    %convert_element_type3A_960 = arith.extui %gt3A_959 : i1 to i32
    %cond3A_961 = arith.constant 0 : i32
    %cond3A_962 = arith.cmpi ne, %convert_element_type3A_960, %cond3A_961 : i32
    scf.if %cond3A_962 {
      %get3A_1188 = arith.index_cast %arg0 : i32 to index
      %get3A_1189 = arith.constant 18 : index
      %get3A_1190 = memref.load %arg1[%get3A_1188, %get3A_1189] : memref<64x64xi32, #tpu.memory_space<smem>>
      %jit3A_1191 = arith.constant 0 : i32
      %jit3A_1192 = arith.constant 2047 : i32
      %max3A_1193 = arith.maxsi %jit3A_1191, %get3A_1190 : i32
      %min3A_1194 = arith.minsi %jit3A_1192, %max3A_1193 : i32
      %slice3A = vector.extract_strided_slice %add3A_865 {offsets = [18, 0], sizes = [1, 768], strides = [1, 1]} : vector<64x768xf32> to vector<1x768xf32>
      %swap3A_1195 = arith.index_cast %min3A_1194 : i32 to index
      %swap3A_1196 = arith.constant 0 : index
      %swap3A_1197 = vector.load %arg8[%swap3A_1195, %swap3A_1196] : memref<2048x768xf32, #tpu.memory_space<vmem>>, vector<1x768xf32>
      tpu.vector_store %arg8[%swap3A_1195, %swap3A_1196], %slice3A {strides = array<i32>} : memref<2048x768xf32, #tpu.memory_space<vmem>>, vector<1x768xf32>,
    } else {
    }
    %gt3A_963 = arith.constant 19 : i32
    %gt3A_964 = arith.cmpi sgt, %get3A_868, %gt3A_963 : i32
    %convert_element_type3A_965 = arith.extui %gt3A_964 : i1 to i32
    %cond3A_966 = arith.constant 0 : i32
    %cond3A_967 = arith.cmpi ne, %convert_element_type3A_965, %cond3A_966 : i32
    scf.if %cond3A_967 {
      %get3A_1188 = arith.index_cast %arg0 : i32 to index
      %get3A_1189 = arith.constant 19 : index
      %get3A_1190 = memref.load %arg1[%get3A_1188, %get3A_1189] : memref<64x64xi32, #tpu.memory_space<smem>>
      %jit3A_1191 = arith.constant 0 : i32
      %jit3A_1192 = arith.constant 2047 : i32
      %max3A_1193 = arith.maxsi %jit3A_1191, %get3A_1190 : i32
      %min3A_1194 = arith.minsi %jit3A_1192, %max3A_1193 : i32
      %slice3A = vector.extract_strided_slice %add3A_865 {offsets = [19, 0], sizes = [1, 768], strides = [1, 1]} : vector<64x768xf32> to vector<1x768xf32>
      %swap3A_1195 = arith.index_cast %min3A_1194 : i32 to index
      %swap3A_1196 = arith.constant 0 : index
      %swap3A_1197 = vector.load %arg8[%swap3A_1195, %swap3A_1196] : memref<2048x768xf32, #tpu.memory_space<vmem>>, vector<1x768xf32>
      tpu.vector_store %arg8[%swap3A_1195, %swap3A_1196], %slice3A {strides = array<i32>} : memref<2048x768xf32, #tpu.memory_space<vmem>>, vector<1x768xf32>,
    } else {
    }
    %gt3A_968 = arith.constant 20 : i32
    %gt3A_969 = arith.cmpi sgt, %get3A_868, %gt3A_968 : i32
    %convert_element_type3A_970 = arith.extui %gt3A_969 : i1 to i32
    %cond3A_971 = arith.constant 0 : i32
    %cond3A_972 = arith.cmpi ne, %convert_element_type3A_970, %cond3A_971 : i32
    scf.if %cond3A_972 {
      %get3A_1188 = arith.index_cast %arg0 : i32 to index
      %get3A_1189 = arith.constant 20 : index
      %get3A_1190 = memref.load %arg1[%get3A_1188, %get3A_1189] : memref<64x64xi32, #tpu.memory_space<smem>>
      %jit3A_1191 = arith.constant 0 : i32
      %jit3A_1192 = arith.constant 2047 : i32
      %max3A_1193 = arith.maxsi %jit3A_1191, %get3A_1190 : i32
      %min3A_1194 = arith.minsi %jit3A_1192, %max3A_1193 : i32
      %slice3A = vector.extract_strided_slice %add3A_865 {offsets = [20, 0], sizes = [1, 768], strides = [1, 1]} : vector<64x768xf32> to vector<1x768xf32>
      %swap3A_1195 = arith.index_cast %min3A_1194 : i32 to index
      %swap3A_1196 = arith.constant 0 : index
      %swap3A_1197 = vector.load %arg8[%swap3A_1195, %swap3A_1196] : memref<2048x768xf32, #tpu.memory_space<vmem>>, vector<1x768xf32>
      tpu.vector_store %arg8[%swap3A_1195, %swap3A_1196], %slice3A {strides = array<i32>} : memref<2048x768xf32, #tpu.memory_space<vmem>>, vector<1x768xf32>,
    } else {
    }
    %gt3A_973 = arith.constant 21 : i32
    %gt3A_974 = arith.cmpi sgt, %get3A_868, %gt3A_973 : i32
    %convert_element_type3A_975 = arith.extui %gt3A_974 : i1 to i32
    %cond3A_976 = arith.constant 0 : i32
    %cond3A_977 = arith.cmpi ne, %convert_element_type3A_975, %cond3A_976 : i32
    scf.if %cond3A_977 {
      %get3A_1188 = arith.index_cast %arg0 : i32 to index
      %get3A_1189 = arith.constant 21 : index
      %get3A_1190 = memref.load %arg1[%get3A_1188, %get3A_1189] : memref<64x64xi32, #tpu.memory_space<smem>>
      %jit3A_1191 = arith.constant 0 : i32
      %jit3A_1192 = arith.constant 2047 : i32
      %max3A_1193 = arith.maxsi %jit3A_1191, %get3A_1190 : i32
      %min3A_1194 = arith.minsi %jit3A_1192, %max3A_1193 : i32
      %slice3A = vector.extract_strided_slice %add3A_865 {offsets = [21, 0], sizes = [1, 768], strides = [1, 1]} : vector<64x768xf32> to vector<1x768xf32>
      %swap3A_1195 = arith.index_cast %min3A_1194 : i32 to index
      %swap3A_1196 = arith.constant 0 : index
      %swap3A_1197 = vector.load %arg8[%swap3A_1195, %swap3A_1196] : memref<2048x768xf32, #tpu.memory_space<vmem>>, vector<1x768xf32>
      tpu.vector_store %arg8[%swap3A_1195, %swap3A_1196], %slice3A {strides = array<i32>} : memref<2048x768xf32, #tpu.memory_space<vmem>>, vector<1x768xf32>,
    } else {
    }
    %gt3A_978 = arith.constant 22 : i32
    %gt3A_979 = arith.cmpi sgt, %get3A_868, %gt3A_978 : i32
    %convert_element_type3A_980 = arith.extui %gt3A_979 : i1 to i32
    %cond3A_981 = arith.constant 0 : i32
    %cond3A_982 = arith.cmpi ne, %convert_element_type3A_980, %cond3A_981 : i32
    scf.if %cond3A_982 {
      %get3A_1188 = arith.index_cast %arg0 : i32 to index
      %get3A_1189 = arith.constant 22 : index
      %get3A_1190 = memref.load %arg1[%get3A_1188, %get3A_1189] : memref<64x64xi32, #tpu.memory_space<smem>>
      %jit3A_1191 = arith.constant 0 : i32
      %jit3A_1192 = arith.constant 2047 : i32
      %max3A_1193 = arith.maxsi %jit3A_1191, %get3A_1190 : i32
      %min3A_1194 = arith.minsi %jit3A_1192, %max3A_1193 : i32
      %slice3A = vector.extract_strided_slice %add3A_865 {offsets = [22, 0], sizes = [1, 768], strides = [1, 1]} : vector<64x768xf32> to vector<1x768xf32>
      %swap3A_1195 = arith.index_cast %min3A_1194 : i32 to index
      %swap3A_1196 = arith.constant 0 : index
      %swap3A_1197 = vector.load %arg8[%swap3A_1195, %swap3A_1196] : memref<2048x768xf32, #tpu.memory_space<vmem>>, vector<1x768xf32>
      tpu.vector_store %arg8[%swap3A_1195, %swap3A_1196], %slice3A {strides = array<i32>} : memref<2048x768xf32, #tpu.memory_space<vmem>>, vector<1x768xf32>,
    } else {
    }
    %gt3A_983 = arith.constant 23 : i32
    %gt3A_984 = arith.cmpi sgt, %get3A_868, %gt3A_983 : i32
    %convert_element_type3A_985 = arith.extui %gt3A_984 : i1 to i32
    %cond3A_986 = arith.constant 0 : i32
    %cond3A_987 = arith.cmpi ne, %convert_element_type3A_985, %cond3A_986 : i32
    scf.if %cond3A_987 {
      %get3A_1188 = arith.index_cast %arg0 : i32 to index
      %get3A_1189 = arith.constant 23 : index
      %get3A_1190 = memref.load %arg1[%get3A_1188, %get3A_1189] : memref<64x64xi32, #tpu.memory_space<smem>>
      %jit3A_1191 = arith.constant 0 : i32
      %jit3A_1192 = arith.constant 2047 : i32
      %max3A_1193 = arith.maxsi %jit3A_1191, %get3A_1190 : i32
      %min3A_1194 = arith.minsi %jit3A_1192, %max3A_1193 : i32
      %slice3A = vector.extract_strided_slice %add3A_865 {offsets = [23, 0], sizes = [1, 768], strides = [1, 1]} : vector<64x768xf32> to vector<1x768xf32>
      %swap3A_1195 = arith.index_cast %min3A_1194 : i32 to index
      %swap3A_1196 = arith.constant 0 : index
      %swap3A_1197 = vector.load %arg8[%swap3A_1195, %swap3A_1196] : memref<2048x768xf32, #tpu.memory_space<vmem>>, vector<1x768xf32>
      tpu.vector_store %arg8[%swap3A_1195, %swap3A_1196], %slice3A {strides = array<i32>} : memref<2048x768xf32, #tpu.memory_space<vmem>>, vector<1x768xf32>,
    } else {
    }
    %gt3A_988 = arith.constant 24 : i32
    %gt3A_989 = arith.cmpi sgt, %get3A_868, %gt3A_988 : i32
    %convert_element_type3A_990 = arith.extui %gt3A_989 : i1 to i32
    %cond3A_991 = arith.constant 0 : i32
    %cond3A_992 = arith.cmpi ne, %convert_element_type3A_990, %cond3A_991 : i32
    scf.if %cond3A_992 {
      %get3A_1188 = arith.index_cast %arg0 : i32 to index
      %get3A_1189 = arith.constant 24 : index
      %get3A_1190 = memref.load %arg1[%get3A_1188, %get3A_1189] : memref<64x64xi32, #tpu.memory_space<smem>>
      %jit3A_1191 = arith.constant 0 : i32
      %jit3A_1192 = arith.constant 2047 : i32
      %max3A_1193 = arith.maxsi %jit3A_1191, %get3A_1190 : i32
      %min3A_1194 = arith.minsi %jit3A_1192, %max3A_1193 : i32
      %slice3A = vector.extract_strided_slice %add3A_865 {offsets = [24, 0], sizes = [1, 768], strides = [1, 1]} : vector<64x768xf32> to vector<1x768xf32>
      %swap3A_1195 = arith.index_cast %min3A_1194 : i32 to index
      %swap3A_1196 = arith.constant 0 : index
      %swap3A_1197 = vector.load %arg8[%swap3A_1195, %swap3A_1196] : memref<2048x768xf32, #tpu.memory_space<vmem>>, vector<1x768xf32>
      tpu.vector_store %arg8[%swap3A_1195, %swap3A_1196], %slice3A {strides = array<i32>} : memref<2048x768xf32, #tpu.memory_space<vmem>>, vector<1x768xf32>,
    } else {
    }
    %gt3A_993 = arith.constant 25 : i32
    %gt3A_994 = arith.cmpi sgt, %get3A_868, %gt3A_993 : i32
    %convert_element_type3A_995 = arith.extui %gt3A_994 : i1 to i32
    %cond3A_996 = arith.constant 0 : i32
    %cond3A_997 = arith.cmpi ne, %convert_element_type3A_995, %cond3A_996 : i32
    scf.if %cond3A_997 {
      %get3A_1188 = arith.index_cast %arg0 : i32 to index
      %get3A_1189 = arith.constant 25 : index
      %get3A_1190 = memref.load %arg1[%get3A_1188, %get3A_1189] : memref<64x64xi32, #tpu.memory_space<smem>>
      %jit3A_1191 = arith.constant 0 : i32
      %jit3A_1192 = arith.constant 2047 : i32
      %max3A_1193 = arith.maxsi %jit3A_1191, %get3A_1190 : i32
      %min3A_1194 = arith.minsi %jit3A_1192, %max3A_1193 : i32
      %slice3A = vector.extract_strided_slice %add3A_865 {offsets = [25, 0], sizes = [1, 768], strides = [1, 1]} : vector<64x768xf32> to vector<1x768xf32>
      %swap3A_1195 = arith.index_cast %min3A_1194 : i32 to index
      %swap3A_1196 = arith.constant 0 : index
      %swap3A_1197 = vector.load %arg8[%swap3A_1195, %swap3A_1196] : memref<2048x768xf32, #tpu.memory_space<vmem>>, vector<1x768xf32>
      tpu.vector_store %arg8[%swap3A_1195, %swap3A_1196], %slice3A {strides = array<i32>} : memref<2048x768xf32, #tpu.memory_space<vmem>>, vector<1x768xf32>,
    } else {
    }
    %gt3A_998 = arith.constant 26 : i32
    %gt3A_999 = arith.cmpi sgt, %get3A_868, %gt3A_998 : i32
    %convert_element_type3A_1000 = arith.extui %gt3A_999 : i1 to i32
    %cond3A_1001 = arith.constant 0 : i32
    %cond3A_1002 = arith.cmpi ne, %convert_element_type3A_1000, %cond3A_1001 : i32
    scf.if %cond3A_1002 {
      %get3A_1188 = arith.index_cast %arg0 : i32 to index
      %get3A_1189 = arith.constant 26 : index
      %get3A_1190 = memref.load %arg1[%get3A_1188, %get3A_1189] : memref<64x64xi32, #tpu.memory_space<smem>>
      %jit3A_1191 = arith.constant 0 : i32
      %jit3A_1192 = arith.constant 2047 : i32
      %max3A_1193 = arith.maxsi %jit3A_1191, %get3A_1190 : i32
      %min3A_1194 = arith.minsi %jit3A_1192, %max3A_1193 : i32
      %slice3A = vector.extract_strided_slice %add3A_865 {offsets = [26, 0], sizes = [1, 768], strides = [1, 1]} : vector<64x768xf32> to vector<1x768xf32>
      %swap3A_1195 = arith.index_cast %min3A_1194 : i32 to index
      %swap3A_1196 = arith.constant 0 : index
      %swap3A_1197 = vector.load %arg8[%swap3A_1195, %swap3A_1196] : memref<2048x768xf32, #tpu.memory_space<vmem>>, vector<1x768xf32>
      tpu.vector_store %arg8[%swap3A_1195, %swap3A_1196], %slice3A {strides = array<i32>} : memref<2048x768xf32, #tpu.memory_space<vmem>>, vector<1x768xf32>,
    } else {
    }
    %gt3A_1003 = arith.constant 27 : i32
    %gt3A_1004 = arith.cmpi sgt, %get3A_868, %gt3A_1003 : i32
    %convert_element_type3A_1005 = arith.extui %gt3A_1004 : i1 to i32
    %cond3A_1006 = arith.constant 0 : i32
    %cond3A_1007 = arith.cmpi ne, %convert_element_type3A_1005, %cond3A_1006 : i32
    scf.if %cond3A_1007 {
      %get3A_1188 = arith.index_cast %arg0 : i32 to index
      %get3A_1189 = arith.constant 27 : index
      %get3A_1190 = memref.load %arg1[%get3A_1188, %get3A_1189] : memref<64x64xi32, #tpu.memory_space<smem>>
      %jit3A_1191 = arith.constant 0 : i32
      %jit3A_1192 = arith.constant 2047 : i32
      %max3A_1193 = arith.maxsi %jit3A_1191, %get3A_1190 : i32
      %min3A_1194 = arith.minsi %jit3A_1192, %max3A_1193 : i32
      %slice3A = vector.extract_strided_slice %add3A_865 {offsets = [27, 0], sizes = [1, 768], strides = [1, 1]} : vector<64x768xf32> to vector<1x768xf32>
      %swap3A_1195 = arith.index_cast %min3A_1194 : i32 to index
      %swap3A_1196 = arith.constant 0 : index
      %swap3A_1197 = vector.load %arg8[%swap3A_1195, %swap3A_1196] : memref<2048x768xf32, #tpu.memory_space<vmem>>, vector<1x768xf32>
      tpu.vector_store %arg8[%swap3A_1195, %swap3A_1196], %slice3A {strides = array<i32>} : memref<2048x768xf32, #tpu.memory_space<vmem>>, vector<1x768xf32>,
    } else {
    }
    %gt3A_1008 = arith.constant 28 : i32
    %gt3A_1009 = arith.cmpi sgt, %get3A_868, %gt3A_1008 : i32
    %convert_element_type3A_1010 = arith.extui %gt3A_1009 : i1 to i32
    %cond3A_1011 = arith.constant 0 : i32
    %cond3A_1012 = arith.cmpi ne, %convert_element_type3A_1010, %cond3A_1011 : i32
    scf.if %cond3A_1012 {
      %get3A_1188 = arith.index_cast %arg0 : i32 to index
      %get3A_1189 = arith.constant 28 : index
      %get3A_1190 = memref.load %arg1[%get3A_1188, %get3A_1189] : memref<64x64xi32, #tpu.memory_space<smem>>
      %jit3A_1191 = arith.constant 0 : i32
      %jit3A_1192 = arith.constant 2047 : i32
      %max3A_1193 = arith.maxsi %jit3A_1191, %get3A_1190 : i32
      %min3A_1194 = arith.minsi %jit3A_1192, %max3A_1193 : i32
      %slice3A = vector.extract_strided_slice %add3A_865 {offsets = [28, 0], sizes = [1, 768], strides = [1, 1]} : vector<64x768xf32> to vector<1x768xf32>
      %swap3A_1195 = arith.index_cast %min3A_1194 : i32 to index
      %swap3A_1196 = arith.constant 0 : index
      %swap3A_1197 = vector.load %arg8[%swap3A_1195, %swap3A_1196] : memref<2048x768xf32, #tpu.memory_space<vmem>>, vector<1x768xf32>
      tpu.vector_store %arg8[%swap3A_1195, %swap3A_1196], %slice3A {strides = array<i32>} : memref<2048x768xf32, #tpu.memory_space<vmem>>, vector<1x768xf32>,
    } else {
    }
    %gt3A_1013 = arith.constant 29 : i32
    %gt3A_1014 = arith.cmpi sgt, %get3A_868, %gt3A_1013 : i32
    %convert_element_type3A_1015 = arith.extui %gt3A_1014 : i1 to i32
    %cond3A_1016 = arith.constant 0 : i32
    %cond3A_1017 = arith.cmpi ne, %convert_element_type3A_1015, %cond3A_1016 : i32
    scf.if %cond3A_1017 {
      %get3A_1188 = arith.index_cast %arg0 : i32 to index
      %get3A_1189 = arith.constant 29 : index
      %get3A_1190 = memref.load %arg1[%get3A_1188, %get3A_1189] : memref<64x64xi32, #tpu.memory_space<smem>>
      %jit3A_1191 = arith.constant 0 : i32
      %jit3A_1192 = arith.constant 2047 : i32
      %max3A_1193 = arith.maxsi %jit3A_1191, %get3A_1190 : i32
      %min3A_1194 = arith.minsi %jit3A_1192, %max3A_1193 : i32
      %slice3A = vector.extract_strided_slice %add3A_865 {offsets = [29, 0], sizes = [1, 768], strides = [1, 1]} : vector<64x768xf32> to vector<1x768xf32>
      %swap3A_1195 = arith.index_cast %min3A_1194 : i32 to index
      %swap3A_1196 = arith.constant 0 : index
      %swap3A_1197 = vector.load %arg8[%swap3A_1195, %swap3A_1196] : memref<2048x768xf32, #tpu.memory_space<vmem>>, vector<1x768xf32>
      tpu.vector_store %arg8[%swap3A_1195, %swap3A_1196], %slice3A {strides = array<i32>} : memref<2048x768xf32, #tpu.memory_space<vmem>>, vector<1x768xf32>,
    } else {
    }
    %gt3A_1018 = arith.constant 30 : i32
    %gt3A_1019 = arith.cmpi sgt, %get3A_868, %gt3A_1018 : i32
    %convert_element_type3A_1020 = arith.extui %gt3A_1019 : i1 to i32
    %cond3A_1021 = arith.constant 0 : i32
    %cond3A_1022 = arith.cmpi ne, %convert_element_type3A_1020, %cond3A_1021 : i32
    scf.if %cond3A_1022 {
      %get3A_1188 = arith.index_cast %arg0 : i32 to index
      %get3A_1189 = arith.constant 30 : index
      %get3A_1190 = memref.load %arg1[%get3A_1188, %get3A_1189] : memref<64x64xi32, #tpu.memory_space<smem>>
      %jit3A_1191 = arith.constant 0 : i32
      %jit3A_1192 = arith.constant 2047 : i32
      %max3A_1193 = arith.maxsi %jit3A_1191, %get3A_1190 : i32
      %min3A_1194 = arith.minsi %jit3A_1192, %max3A_1193 : i32
      %slice3A = vector.extract_strided_slice %add3A_865 {offsets = [30, 0], sizes = [1, 768], strides = [1, 1]} : vector<64x768xf32> to vector<1x768xf32>
      %swap3A_1195 = arith.index_cast %min3A_1194 : i32 to index
      %swap3A_1196 = arith.constant 0 : index
      %swap3A_1197 = vector.load %arg8[%swap3A_1195, %swap3A_1196] : memref<2048x768xf32, #tpu.memory_space<vmem>>, vector<1x768xf32>
      tpu.vector_store %arg8[%swap3A_1195, %swap3A_1196], %slice3A {strides = array<i32>} : memref<2048x768xf32, #tpu.memory_space<vmem>>, vector<1x768xf32>,
    } else {
    }
    %gt3A_1023 = arith.constant 31 : i32
    %gt3A_1024 = arith.cmpi sgt, %get3A_868, %gt3A_1023 : i32
    %convert_element_type3A_1025 = arith.extui %gt3A_1024 : i1 to i32
    %cond3A_1026 = arith.constant 0 : i32
    %cond3A_1027 = arith.cmpi ne, %convert_element_type3A_1025, %cond3A_1026 : i32
    scf.if %cond3A_1027 {
      %get3A_1188 = arith.index_cast %arg0 : i32 to index
      %get3A_1189 = arith.constant 31 : index
      %get3A_1190 = memref.load %arg1[%get3A_1188, %get3A_1189] : memref<64x64xi32, #tpu.memory_space<smem>>
      %jit3A_1191 = arith.constant 0 : i32
      %jit3A_1192 = arith.constant 2047 : i32
      %max3A_1193 = arith.maxsi %jit3A_1191, %get3A_1190 : i32
      %min3A_1194 = arith.minsi %jit3A_1192, %max3A_1193 : i32
      %slice3A = vector.extract_strided_slice %add3A_865 {offsets = [31, 0], sizes = [1, 768], strides = [1, 1]} : vector<64x768xf32> to vector<1x768xf32>
      %swap3A_1195 = arith.index_cast %min3A_1194 : i32 to index
      %swap3A_1196 = arith.constant 0 : index
      %swap3A_1197 = vector.load %arg8[%swap3A_1195, %swap3A_1196] : memref<2048x768xf32, #tpu.memory_space<vmem>>, vector<1x768xf32>
      tpu.vector_store %arg8[%swap3A_1195, %swap3A_1196], %slice3A {strides = array<i32>} : memref<2048x768xf32, #tpu.memory_space<vmem>>, vector<1x768xf32>,
    } else {
    }
    %gt3A_1028 = arith.constant 32 : i32
    %gt3A_1029 = arith.cmpi sgt, %get3A_868, %gt3A_1028 : i32
    %convert_element_type3A_1030 = arith.extui %gt3A_1029 : i1 to i32
    %cond3A_1031 = arith.constant 0 : i32
    %cond3A_1032 = arith.cmpi ne, %convert_element_type3A_1030, %cond3A_1031 : i32
    scf.if %cond3A_1032 {
      %get3A_1188 = arith.index_cast %arg0 : i32 to index
      %get3A_1189 = arith.constant 32 : index
      %get3A_1190 = memref.load %arg1[%get3A_1188, %get3A_1189] : memref<64x64xi32, #tpu.memory_space<smem>>
      %jit3A_1191 = arith.constant 0 : i32
      %jit3A_1192 = arith.constant 2047 : i32
      %max3A_1193 = arith.maxsi %jit3A_1191, %get3A_1190 : i32
      %min3A_1194 = arith.minsi %jit3A_1192, %max3A_1193 : i32
      %slice3A = vector.extract_strided_slice %add3A_865 {offsets = [32, 0], sizes = [1, 768], strides = [1, 1]} : vector<64x768xf32> to vector<1x768xf32>
      %swap3A_1195 = arith.index_cast %min3A_1194 : i32 to index
      %swap3A_1196 = arith.constant 0 : index
      %swap3A_1197 = vector.load %arg8[%swap3A_1195, %swap3A_1196] : memref<2048x768xf32, #tpu.memory_space<vmem>>, vector<1x768xf32>
      tpu.vector_store %arg8[%swap3A_1195, %swap3A_1196], %slice3A {strides = array<i32>} : memref<2048x768xf32, #tpu.memory_space<vmem>>, vector<1x768xf32>,
    } else {
    }
    %gt3A_1033 = arith.constant 33 : i32
    %gt3A_1034 = arith.cmpi sgt, %get3A_868, %gt3A_1033 : i32
    %convert_element_type3A_1035 = arith.extui %gt3A_1034 : i1 to i32
    %cond3A_1036 = arith.constant 0 : i32
    %cond3A_1037 = arith.cmpi ne, %convert_element_type3A_1035, %cond3A_1036 : i32
    scf.if %cond3A_1037 {
      %get3A_1188 = arith.index_cast %arg0 : i32 to index
      %get3A_1189 = arith.constant 33 : index
      %get3A_1190 = memref.load %arg1[%get3A_1188, %get3A_1189] : memref<64x64xi32, #tpu.memory_space<smem>>
      %jit3A_1191 = arith.constant 0 : i32
      %jit3A_1192 = arith.constant 2047 : i32
      %max3A_1193 = arith.maxsi %jit3A_1191, %get3A_1190 : i32
      %min3A_1194 = arith.minsi %jit3A_1192, %max3A_1193 : i32
      %slice3A = vector.extract_strided_slice %add3A_865 {offsets = [33, 0], sizes = [1, 768], strides = [1, 1]} : vector<64x768xf32> to vector<1x768xf32>
      %swap3A_1195 = arith.index_cast %min3A_1194 : i32 to index
      %swap3A_1196 = arith.constant 0 : index
      %swap3A_1197 = vector.load %arg8[%swap3A_1195, %swap3A_1196] : memref<2048x768xf32, #tpu.memory_space<vmem>>, vector<1x768xf32>
      tpu.vector_store %arg8[%swap3A_1195, %swap3A_1196], %slice3A {strides = array<i32>} : memref<2048x768xf32, #tpu.memory_space<vmem>>, vector<1x768xf32>,
    } else {
    }
    %gt3A_1038 = arith.constant 34 : i32
    %gt3A_1039 = arith.cmpi sgt, %get3A_868, %gt3A_1038 : i32
    %convert_element_type3A_1040 = arith.extui %gt3A_1039 : i1 to i32
    %cond3A_1041 = arith.constant 0 : i32
    %cond3A_1042 = arith.cmpi ne, %convert_element_type3A_1040, %cond3A_1041 : i32
    scf.if %cond3A_1042 {
      %get3A_1188 = arith.index_cast %arg0 : i32 to index
      %get3A_1189 = arith.constant 34 : index
      %get3A_1190 = memref.load %arg1[%get3A_1188, %get3A_1189] : memref<64x64xi32, #tpu.memory_space<smem>>
      %jit3A_1191 = arith.constant 0 : i32
      %jit3A_1192 = arith.constant 2047 : i32
      %max3A_1193 = arith.maxsi %jit3A_1191, %get3A_1190 : i32
      %min3A_1194 = arith.minsi %jit3A_1192, %max3A_1193 : i32
      %slice3A = vector.extract_strided_slice %add3A_865 {offsets = [34, 0], sizes = [1, 768], strides = [1, 1]} : vector<64x768xf32> to vector<1x768xf32>
      %swap3A_1195 = arith.index_cast %min3A_1194 : i32 to index
      %swap3A_1196 = arith.constant 0 : index
      %swap3A_1197 = vector.load %arg8[%swap3A_1195, %swap3A_1196] : memref<2048x768xf32, #tpu.memory_space<vmem>>, vector<1x768xf32>
      tpu.vector_store %arg8[%swap3A_1195, %swap3A_1196], %slice3A {strides = array<i32>} : memref<2048x768xf32, #tpu.memory_space<vmem>>, vector<1x768xf32>,
    } else {
    }
    %gt3A_1043 = arith.constant 35 : i32
    %gt3A_1044 = arith.cmpi sgt, %get3A_868, %gt3A_1043 : i32
    %convert_element_type3A_1045 = arith.extui %gt3A_1044 : i1 to i32
    %cond3A_1046 = arith.constant 0 : i32
    %cond3A_1047 = arith.cmpi ne, %convert_element_type3A_1045, %cond3A_1046 : i32
    scf.if %cond3A_1047 {
      %get3A_1188 = arith.index_cast %arg0 : i32 to index
      %get3A_1189 = arith.constant 35 : index
      %get3A_1190 = memref.load %arg1[%get3A_1188, %get3A_1189] : memref<64x64xi32, #tpu.memory_space<smem>>
      %jit3A_1191 = arith.constant 0 : i32
      %jit3A_1192 = arith.constant 2047 : i32
      %max3A_1193 = arith.maxsi %jit3A_1191, %get3A_1190 : i32
      %min3A_1194 = arith.minsi %jit3A_1192, %max3A_1193 : i32
      %slice3A = vector.extract_strided_slice %add3A_865 {offsets = [35, 0], sizes = [1, 768], strides = [1, 1]} : vector<64x768xf32> to vector<1x768xf32>
      %swap3A_1195 = arith.index_cast %min3A_1194 : i32 to index
      %swap3A_1196 = arith.constant 0 : index
      %swap3A_1197 = vector.load %arg8[%swap3A_1195, %swap3A_1196] : memref<2048x768xf32, #tpu.memory_space<vmem>>, vector<1x768xf32>
      tpu.vector_store %arg8[%swap3A_1195, %swap3A_1196], %slice3A {strides = array<i32>} : memref<2048x768xf32, #tpu.memory_space<vmem>>, vector<1x768xf32>,
    } else {
    }
    %gt3A_1048 = arith.constant 36 : i32
    %gt3A_1049 = arith.cmpi sgt, %get3A_868, %gt3A_1048 : i32
    %convert_element_type3A_1050 = arith.extui %gt3A_1049 : i1 to i32
    %cond3A_1051 = arith.constant 0 : i32
    %cond3A_1052 = arith.cmpi ne, %convert_element_type3A_1050, %cond3A_1051 : i32
    scf.if %cond3A_1052 {
      %get3A_1188 = arith.index_cast %arg0 : i32 to index
      %get3A_1189 = arith.constant 36 : index
      %get3A_1190 = memref.load %arg1[%get3A_1188, %get3A_1189] : memref<64x64xi32, #tpu.memory_space<smem>>
      %jit3A_1191 = arith.constant 0 : i32
      %jit3A_1192 = arith.constant 2047 : i32
      %max3A_1193 = arith.maxsi %jit3A_1191, %get3A_1190 : i32
      %min3A_1194 = arith.minsi %jit3A_1192, %max3A_1193 : i32
      %slice3A = vector.extract_strided_slice %add3A_865 {offsets = [36, 0], sizes = [1, 768], strides = [1, 1]} : vector<64x768xf32> to vector<1x768xf32>
      %swap3A_1195 = arith.index_cast %min3A_1194 : i32 to index
      %swap3A_1196 = arith.constant 0 : index
      %swap3A_1197 = vector.load %arg8[%swap3A_1195, %swap3A_1196] : memref<2048x768xf32, #tpu.memory_space<vmem>>, vector<1x768xf32>
      tpu.vector_store %arg8[%swap3A_1195, %swap3A_1196], %slice3A {strides = array<i32>} : memref<2048x768xf32, #tpu.memory_space<vmem>>, vector<1x768xf32>,
    } else {
    }
    %gt3A_1053 = arith.constant 37 : i32
    %gt3A_1054 = arith.cmpi sgt, %get3A_868, %gt3A_1053 : i32
    %convert_element_type3A_1055 = arith.extui %gt3A_1054 : i1 to i32
    %cond3A_1056 = arith.constant 0 : i32
    %cond3A_1057 = arith.cmpi ne, %convert_element_type3A_1055, %cond3A_1056 : i32
    scf.if %cond3A_1057 {
      %get3A_1188 = arith.index_cast %arg0 : i32 to index
      %get3A_1189 = arith.constant 37 : index
      %get3A_1190 = memref.load %arg1[%get3A_1188, %get3A_1189] : memref<64x64xi32, #tpu.memory_space<smem>>
      %jit3A_1191 = arith.constant 0 : i32
      %jit3A_1192 = arith.constant 2047 : i32
      %max3A_1193 = arith.maxsi %jit3A_1191, %get3A_1190 : i32
      %min3A_1194 = arith.minsi %jit3A_1192, %max3A_1193 : i32
      %slice3A = vector.extract_strided_slice %add3A_865 {offsets = [37, 0], sizes = [1, 768], strides = [1, 1]} : vector<64x768xf32> to vector<1x768xf32>
      %swap3A_1195 = arith.index_cast %min3A_1194 : i32 to index
      %swap3A_1196 = arith.constant 0 : index
      %swap3A_1197 = vector.load %arg8[%swap3A_1195, %swap3A_1196] : memref<2048x768xf32, #tpu.memory_space<vmem>>, vector<1x768xf32>
      tpu.vector_store %arg8[%swap3A_1195, %swap3A_1196], %slice3A {strides = array<i32>} : memref<2048x768xf32, #tpu.memory_space<vmem>>, vector<1x768xf32>,
    } else {
    }
    %gt3A_1058 = arith.constant 38 : i32
    %gt3A_1059 = arith.cmpi sgt, %get3A_868, %gt3A_1058 : i32
    %convert_element_type3A_1060 = arith.extui %gt3A_1059 : i1 to i32
    %cond3A_1061 = arith.constant 0 : i32
    %cond3A_1062 = arith.cmpi ne, %convert_element_type3A_1060, %cond3A_1061 : i32
    scf.if %cond3A_1062 {
      %get3A_1188 = arith.index_cast %arg0 : i32 to index
      %get3A_1189 = arith.constant 38 : index
      %get3A_1190 = memref.load %arg1[%get3A_1188, %get3A_1189] : memref<64x64xi32, #tpu.memory_space<smem>>
      %jit3A_1191 = arith.constant 0 : i32
      %jit3A_1192 = arith.constant 2047 : i32
      %max3A_1193 = arith.maxsi %jit3A_1191, %get3A_1190 : i32
      %min3A_1194 = arith.minsi %jit3A_1192, %max3A_1193 : i32
      %slice3A = vector.extract_strided_slice %add3A_865 {offsets = [38, 0], sizes = [1, 768], strides = [1, 1]} : vector<64x768xf32> to vector<1x768xf32>
      %swap3A_1195 = arith.index_cast %min3A_1194 : i32 to index
      %swap3A_1196 = arith.constant 0 : index
      %swap3A_1197 = vector.load %arg8[%swap3A_1195, %swap3A_1196] : memref<2048x768xf32, #tpu.memory_space<vmem>>, vector<1x768xf32>
      tpu.vector_store %arg8[%swap3A_1195, %swap3A_1196], %slice3A {strides = array<i32>} : memref<2048x768xf32, #tpu.memory_space<vmem>>, vector<1x768xf32>,
    } else {
    }
    %gt3A_1063 = arith.constant 39 : i32
    %gt3A_1064 = arith.cmpi sgt, %get3A_868, %gt3A_1063 : i32
    %convert_element_type3A_1065 = arith.extui %gt3A_1064 : i1 to i32
    %cond3A_1066 = arith.constant 0 : i32
    %cond3A_1067 = arith.cmpi ne, %convert_element_type3A_1065, %cond3A_1066 : i32
    scf.if %cond3A_1067 {
      %get3A_1188 = arith.index_cast %arg0 : i32 to index
      %get3A_1189 = arith.constant 39 : index
      %get3A_1190 = memref.load %arg1[%get3A_1188, %get3A_1189] : memref<64x64xi32, #tpu.memory_space<smem>>
      %jit3A_1191 = arith.constant 0 : i32
      %jit3A_1192 = arith.constant 2047 : i32
      %max3A_1193 = arith.maxsi %jit3A_1191, %get3A_1190 : i32
      %min3A_1194 = arith.minsi %jit3A_1192, %max3A_1193 : i32
      %slice3A = vector.extract_strided_slice %add3A_865 {offsets = [39, 0], sizes = [1, 768], strides = [1, 1]} : vector<64x768xf32> to vector<1x768xf32>
      %swap3A_1195 = arith.index_cast %min3A_1194 : i32 to index
      %swap3A_1196 = arith.constant 0 : index
      %swap3A_1197 = vector.load %arg8[%swap3A_1195, %swap3A_1196] : memref<2048x768xf32, #tpu.memory_space<vmem>>, vector<1x768xf32>
      tpu.vector_store %arg8[%swap3A_1195, %swap3A_1196], %slice3A {strides = array<i32>} : memref<2048x768xf32, #tpu.memory_space<vmem>>, vector<1x768xf32>,
    } else {
    }
    %gt3A_1068 = arith.constant 40 : i32
    %gt3A_1069 = arith.cmpi sgt, %get3A_868, %gt3A_1068 : i32
    %convert_element_type3A_1070 = arith.extui %gt3A_1069 : i1 to i32
    %cond3A_1071 = arith.constant 0 : i32
    %cond3A_1072 = arith.cmpi ne, %convert_element_type3A_1070, %cond3A_1071 : i32
    scf.if %cond3A_1072 {
      %get3A_1188 = arith.index_cast %arg0 : i32 to index
      %get3A_1189 = arith.constant 40 : index
      %get3A_1190 = memref.load %arg1[%get3A_1188, %get3A_1189] : memref<64x64xi32, #tpu.memory_space<smem>>
      %jit3A_1191 = arith.constant 0 : i32
      %jit3A_1192 = arith.constant 2047 : i32
      %max3A_1193 = arith.maxsi %jit3A_1191, %get3A_1190 : i32
      %min3A_1194 = arith.minsi %jit3A_1192, %max3A_1193 : i32
      %slice3A = vector.extract_strided_slice %add3A_865 {offsets = [40, 0], sizes = [1, 768], strides = [1, 1]} : vector<64x768xf32> to vector<1x768xf32>
      %swap3A_1195 = arith.index_cast %min3A_1194 : i32 to index
      %swap3A_1196 = arith.constant 0 : index
      %swap3A_1197 = vector.load %arg8[%swap3A_1195, %swap3A_1196] : memref<2048x768xf32, #tpu.memory_space<vmem>>, vector<1x768xf32>
      tpu.vector_store %arg8[%swap3A_1195, %swap3A_1196], %slice3A {strides = array<i32>} : memref<2048x768xf32, #tpu.memory_space<vmem>>, vector<1x768xf32>,
    } else {
    }
    %gt3A_1073 = arith.constant 41 : i32
    %gt3A_1074 = arith.cmpi sgt, %get3A_868, %gt3A_1073 : i32
    %convert_element_type3A_1075 = arith.extui %gt3A_1074 : i1 to i32
    %cond3A_1076 = arith.constant 0 : i32
    %cond3A_1077 = arith.cmpi ne, %convert_element_type3A_1075, %cond3A_1076 : i32
    scf.if %cond3A_1077 {
      %get3A_1188 = arith.index_cast %arg0 : i32 to index
      %get3A_1189 = arith.constant 41 : index
      %get3A_1190 = memref.load %arg1[%get3A_1188, %get3A_1189] : memref<64x64xi32, #tpu.memory_space<smem>>
      %jit3A_1191 = arith.constant 0 : i32
      %jit3A_1192 = arith.constant 2047 : i32
      %max3A_1193 = arith.maxsi %jit3A_1191, %get3A_1190 : i32
      %min3A_1194 = arith.minsi %jit3A_1192, %max3A_1193 : i32
      %slice3A = vector.extract_strided_slice %add3A_865 {offsets = [41, 0], sizes = [1, 768], strides = [1, 1]} : vector<64x768xf32> to vector<1x768xf32>
      %swap3A_1195 = arith.index_cast %min3A_1194 : i32 to index
      %swap3A_1196 = arith.constant 0 : index
      %swap3A_1197 = vector.load %arg8[%swap3A_1195, %swap3A_1196] : memref<2048x768xf32, #tpu.memory_space<vmem>>, vector<1x768xf32>
      tpu.vector_store %arg8[%swap3A_1195, %swap3A_1196], %slice3A {strides = array<i32>} : memref<2048x768xf32, #tpu.memory_space<vmem>>, vector<1x768xf32>,
    } else {
    }
    %gt3A_1078 = arith.constant 42 : i32
    %gt3A_1079 = arith.cmpi sgt, %get3A_868, %gt3A_1078 : i32
    %convert_element_type3A_1080 = arith.extui %gt3A_1079 : i1 to i32
    %cond3A_1081 = arith.constant 0 : i32
    %cond3A_1082 = arith.cmpi ne, %convert_element_type3A_1080, %cond3A_1081 : i32
    scf.if %cond3A_1082 {
      %get3A_1188 = arith.index_cast %arg0 : i32 to index
      %get3A_1189 = arith.constant 42 : index
      %get3A_1190 = memref.load %arg1[%get3A_1188, %get3A_1189] : memref<64x64xi32, #tpu.memory_space<smem>>
      %jit3A_1191 = arith.constant 0 : i32
      %jit3A_1192 = arith.constant 2047 : i32
      %max3A_1193 = arith.maxsi %jit3A_1191, %get3A_1190 : i32
      %min3A_1194 = arith.minsi %jit3A_1192, %max3A_1193 : i32
      %slice3A = vector.extract_strided_slice %add3A_865 {offsets = [42, 0], sizes = [1, 768], strides = [1, 1]} : vector<64x768xf32> to vector<1x768xf32>
      %swap3A_1195 = arith.index_cast %min3A_1194 : i32 to index
      %swap3A_1196 = arith.constant 0 : index
      %swap3A_1197 = vector.load %arg8[%swap3A_1195, %swap3A_1196] : memref<2048x768xf32, #tpu.memory_space<vmem>>, vector<1x768xf32>
      tpu.vector_store %arg8[%swap3A_1195, %swap3A_1196], %slice3A {strides = array<i32>} : memref<2048x768xf32, #tpu.memory_space<vmem>>, vector<1x768xf32>,
    } else {
    }
    %gt3A_1083 = arith.constant 43 : i32
    %gt3A_1084 = arith.cmpi sgt, %get3A_868, %gt3A_1083 : i32
    %convert_element_type3A_1085 = arith.extui %gt3A_1084 : i1 to i32
    %cond3A_1086 = arith.constant 0 : i32
    %cond3A_1087 = arith.cmpi ne, %convert_element_type3A_1085, %cond3A_1086 : i32
    scf.if %cond3A_1087 {
      %get3A_1188 = arith.index_cast %arg0 : i32 to index
      %get3A_1189 = arith.constant 43 : index
      %get3A_1190 = memref.load %arg1[%get3A_1188, %get3A_1189] : memref<64x64xi32, #tpu.memory_space<smem>>
      %jit3A_1191 = arith.constant 0 : i32
      %jit3A_1192 = arith.constant 2047 : i32
      %max3A_1193 = arith.maxsi %jit3A_1191, %get3A_1190 : i32
      %min3A_1194 = arith.minsi %jit3A_1192, %max3A_1193 : i32
      %slice3A = vector.extract_strided_slice %add3A_865 {offsets = [43, 0], sizes = [1, 768], strides = [1, 1]} : vector<64x768xf32> to vector<1x768xf32>
      %swap3A_1195 = arith.index_cast %min3A_1194 : i32 to index
      %swap3A_1196 = arith.constant 0 : index
      %swap3A_1197 = vector.load %arg8[%swap3A_1195, %swap3A_1196] : memref<2048x768xf32, #tpu.memory_space<vmem>>, vector<1x768xf32>
      tpu.vector_store %arg8[%swap3A_1195, %swap3A_1196], %slice3A {strides = array<i32>} : memref<2048x768xf32, #tpu.memory_space<vmem>>, vector<1x768xf32>,
    } else {
    }
    %gt3A_1088 = arith.constant 44 : i32
    %gt3A_1089 = arith.cmpi sgt, %get3A_868, %gt3A_1088 : i32
    %convert_element_type3A_1090 = arith.extui %gt3A_1089 : i1 to i32
    %cond3A_1091 = arith.constant 0 : i32
    %cond3A_1092 = arith.cmpi ne, %convert_element_type3A_1090, %cond3A_1091 : i32
    scf.if %cond3A_1092 {
      %get3A_1188 = arith.index_cast %arg0 : i32 to index
      %get3A_1189 = arith.constant 44 : index
      %get3A_1190 = memref.load %arg1[%get3A_1188, %get3A_1189] : memref<64x64xi32, #tpu.memory_space<smem>>
      %jit3A_1191 = arith.constant 0 : i32
      %jit3A_1192 = arith.constant 2047 : i32
      %max3A_1193 = arith.maxsi %jit3A_1191, %get3A_1190 : i32
      %min3A_1194 = arith.minsi %jit3A_1192, %max3A_1193 : i32
      %slice3A = vector.extract_strided_slice %add3A_865 {offsets = [44, 0], sizes = [1, 768], strides = [1, 1]} : vector<64x768xf32> to vector<1x768xf32>
      %swap3A_1195 = arith.index_cast %min3A_1194 : i32 to index
      %swap3A_1196 = arith.constant 0 : index
      %swap3A_1197 = vector.load %arg8[%swap3A_1195, %swap3A_1196] : memref<2048x768xf32, #tpu.memory_space<vmem>>, vector<1x768xf32>
      tpu.vector_store %arg8[%swap3A_1195, %swap3A_1196], %slice3A {strides = array<i32>} : memref<2048x768xf32, #tpu.memory_space<vmem>>, vector<1x768xf32>,
    } else {
    }
    %gt3A_1093 = arith.constant 45 : i32
    %gt3A_1094 = arith.cmpi sgt, %get3A_868, %gt3A_1093 : i32
    %convert_element_type3A_1095 = arith.extui %gt3A_1094 : i1 to i32
    %cond3A_1096 = arith.constant 0 : i32
    %cond3A_1097 = arith.cmpi ne, %convert_element_type3A_1095, %cond3A_1096 : i32
    scf.if %cond3A_1097 {
      %get3A_1188 = arith.index_cast %arg0 : i32 to index
      %get3A_1189 = arith.constant 45 : index
      %get3A_1190 = memref.load %arg1[%get3A_1188, %get3A_1189] : memref<64x64xi32, #tpu.memory_space<smem>>
      %jit3A_1191 = arith.constant 0 : i32
      %jit3A_1192 = arith.constant 2047 : i32
      %max3A_1193 = arith.maxsi %jit3A_1191, %get3A_1190 : i32
      %min3A_1194 = arith.minsi %jit3A_1192, %max3A_1193 : i32
      %slice3A = vector.extract_strided_slice %add3A_865 {offsets = [45, 0], sizes = [1, 768], strides = [1, 1]} : vector<64x768xf32> to vector<1x768xf32>
      %swap3A_1195 = arith.index_cast %min3A_1194 : i32 to index
      %swap3A_1196 = arith.constant 0 : index
      %swap3A_1197 = vector.load %arg8[%swap3A_1195, %swap3A_1196] : memref<2048x768xf32, #tpu.memory_space<vmem>>, vector<1x768xf32>
      tpu.vector_store %arg8[%swap3A_1195, %swap3A_1196], %slice3A {strides = array<i32>} : memref<2048x768xf32, #tpu.memory_space<vmem>>, vector<1x768xf32>,
    } else {
    }
    %gt3A_1098 = arith.constant 46 : i32
    %gt3A_1099 = arith.cmpi sgt, %get3A_868, %gt3A_1098 : i32
    %convert_element_type3A_1100 = arith.extui %gt3A_1099 : i1 to i32
    %cond3A_1101 = arith.constant 0 : i32
    %cond3A_1102 = arith.cmpi ne, %convert_element_type3A_1100, %cond3A_1101 : i32
    scf.if %cond3A_1102 {
      %get3A_1188 = arith.index_cast %arg0 : i32 to index
      %get3A_1189 = arith.constant 46 : index
      %get3A_1190 = memref.load %arg1[%get3A_1188, %get3A_1189] : memref<64x64xi32, #tpu.memory_space<smem>>
      %jit3A_1191 = arith.constant 0 : i32
      %jit3A_1192 = arith.constant 2047 : i32
      %max3A_1193 = arith.maxsi %jit3A_1191, %get3A_1190 : i32
      %min3A_1194 = arith.minsi %jit3A_1192, %max3A_1193 : i32
      %slice3A = vector.extract_strided_slice %add3A_865 {offsets = [46, 0], sizes = [1, 768], strides = [1, 1]} : vector<64x768xf32> to vector<1x768xf32>
      %swap3A_1195 = arith.index_cast %min3A_1194 : i32 to index
      %swap3A_1196 = arith.constant 0 : index
      %swap3A_1197 = vector.load %arg8[%swap3A_1195, %swap3A_1196] : memref<2048x768xf32, #tpu.memory_space<vmem>>, vector<1x768xf32>
      tpu.vector_store %arg8[%swap3A_1195, %swap3A_1196], %slice3A {strides = array<i32>} : memref<2048x768xf32, #tpu.memory_space<vmem>>, vector<1x768xf32>,
    } else {
    }
    %gt3A_1103 = arith.constant 47 : i32
    %gt3A_1104 = arith.cmpi sgt, %get3A_868, %gt3A_1103 : i32
    %convert_element_type3A_1105 = arith.extui %gt3A_1104 : i1 to i32
    %cond3A_1106 = arith.constant 0 : i32
    %cond3A_1107 = arith.cmpi ne, %convert_element_type3A_1105, %cond3A_1106 : i32
    scf.if %cond3A_1107 {
      %get3A_1188 = arith.index_cast %arg0 : i32 to index
      %get3A_1189 = arith.constant 47 : index
      %get3A_1190 = memref.load %arg1[%get3A_1188, %get3A_1189] : memref<64x64xi32, #tpu.memory_space<smem>>
      %jit3A_1191 = arith.constant 0 : i32
      %jit3A_1192 = arith.constant 2047 : i32
      %max3A_1193 = arith.maxsi %jit3A_1191, %get3A_1190 : i32
      %min3A_1194 = arith.minsi %jit3A_1192, %max3A_1193 : i32
      %slice3A = vector.extract_strided_slice %add3A_865 {offsets = [47, 0], sizes = [1, 768], strides = [1, 1]} : vector<64x768xf32> to vector<1x768xf32>
      %swap3A_1195 = arith.index_cast %min3A_1194 : i32 to index
      %swap3A_1196 = arith.constant 0 : index
      %swap3A_1197 = vector.load %arg8[%swap3A_1195, %swap3A_1196] : memref<2048x768xf32, #tpu.memory_space<vmem>>, vector<1x768xf32>
      tpu.vector_store %arg8[%swap3A_1195, %swap3A_1196], %slice3A {strides = array<i32>} : memref<2048x768xf32, #tpu.memory_space<vmem>>, vector<1x768xf32>,
    } else {
    }
    %gt3A_1108 = arith.constant 48 : i32
    %gt3A_1109 = arith.cmpi sgt, %get3A_868, %gt3A_1108 : i32
    %convert_element_type3A_1110 = arith.extui %gt3A_1109 : i1 to i32
    %cond3A_1111 = arith.constant 0 : i32
    %cond3A_1112 = arith.cmpi ne, %convert_element_type3A_1110, %cond3A_1111 : i32
    scf.if %cond3A_1112 {
      %get3A_1188 = arith.index_cast %arg0 : i32 to index
      %get3A_1189 = arith.constant 48 : index
      %get3A_1190 = memref.load %arg1[%get3A_1188, %get3A_1189] : memref<64x64xi32, #tpu.memory_space<smem>>
      %jit3A_1191 = arith.constant 0 : i32
      %jit3A_1192 = arith.constant 2047 : i32
      %max3A_1193 = arith.maxsi %jit3A_1191, %get3A_1190 : i32
      %min3A_1194 = arith.minsi %jit3A_1192, %max3A_1193 : i32
      %slice3A = vector.extract_strided_slice %add3A_865 {offsets = [48, 0], sizes = [1, 768], strides = [1, 1]} : vector<64x768xf32> to vector<1x768xf32>
      %swap3A_1195 = arith.index_cast %min3A_1194 : i32 to index
      %swap3A_1196 = arith.constant 0 : index
      %swap3A_1197 = vector.load %arg8[%swap3A_1195, %swap3A_1196] : memref<2048x768xf32, #tpu.memory_space<vmem>>, vector<1x768xf32>
      tpu.vector_store %arg8[%swap3A_1195, %swap3A_1196], %slice3A {strides = array<i32>} : memref<2048x768xf32, #tpu.memory_space<vmem>>, vector<1x768xf32>,
    } else {
    }
    %gt3A_1113 = arith.constant 49 : i32
    %gt3A_1114 = arith.cmpi sgt, %get3A_868, %gt3A_1113 : i32
    %convert_element_type3A_1115 = arith.extui %gt3A_1114 : i1 to i32
    %cond3A_1116 = arith.constant 0 : i32
    %cond3A_1117 = arith.cmpi ne, %convert_element_type3A_1115, %cond3A_1116 : i32
    scf.if %cond3A_1117 {
      %get3A_1188 = arith.index_cast %arg0 : i32 to index
      %get3A_1189 = arith.constant 49 : index
      %get3A_1190 = memref.load %arg1[%get3A_1188, %get3A_1189] : memref<64x64xi32, #tpu.memory_space<smem>>
      %jit3A_1191 = arith.constant 0 : i32
      %jit3A_1192 = arith.constant 2047 : i32
      %max3A_1193 = arith.maxsi %jit3A_1191, %get3A_1190 : i32
      %min3A_1194 = arith.minsi %jit3A_1192, %max3A_1193 : i32
      %slice3A = vector.extract_strided_slice %add3A_865 {offsets = [49, 0], sizes = [1, 768], strides = [1, 1]} : vector<64x768xf32> to vector<1x768xf32>
      %swap3A_1195 = arith.index_cast %min3A_1194 : i32 to index
      %swap3A_1196 = arith.constant 0 : index
      %swap3A_1197 = vector.load %arg8[%swap3A_1195, %swap3A_1196] : memref<2048x768xf32, #tpu.memory_space<vmem>>, vector<1x768xf32>
      tpu.vector_store %arg8[%swap3A_1195, %swap3A_1196], %slice3A {strides = array<i32>} : memref<2048x768xf32, #tpu.memory_space<vmem>>, vector<1x768xf32>,
    } else {
    }
    %gt3A_1118 = arith.constant 50 : i32
    %gt3A_1119 = arith.cmpi sgt, %get3A_868, %gt3A_1118 : i32
    %convert_element_type3A_1120 = arith.extui %gt3A_1119 : i1 to i32
    %cond3A_1121 = arith.constant 0 : i32
    %cond3A_1122 = arith.cmpi ne, %convert_element_type3A_1120, %cond3A_1121 : i32
    scf.if %cond3A_1122 {
      %get3A_1188 = arith.index_cast %arg0 : i32 to index
      %get3A_1189 = arith.constant 50 : index
      %get3A_1190 = memref.load %arg1[%get3A_1188, %get3A_1189] : memref<64x64xi32, #tpu.memory_space<smem>>
      %jit3A_1191 = arith.constant 0 : i32
      %jit3A_1192 = arith.constant 2047 : i32
      %max3A_1193 = arith.maxsi %jit3A_1191, %get3A_1190 : i32
      %min3A_1194 = arith.minsi %jit3A_1192, %max3A_1193 : i32
      %slice3A = vector.extract_strided_slice %add3A_865 {offsets = [50, 0], sizes = [1, 768], strides = [1, 1]} : vector<64x768xf32> to vector<1x768xf32>
      %swap3A_1195 = arith.index_cast %min3A_1194 : i32 to index
      %swap3A_1196 = arith.constant 0 : index
      %swap3A_1197 = vector.load %arg8[%swap3A_1195, %swap3A_1196] : memref<2048x768xf32, #tpu.memory_space<vmem>>, vector<1x768xf32>
      tpu.vector_store %arg8[%swap3A_1195, %swap3A_1196], %slice3A {strides = array<i32>} : memref<2048x768xf32, #tpu.memory_space<vmem>>, vector<1x768xf32>,
    } else {
    }
    %gt3A_1123 = arith.constant 51 : i32
    %gt3A_1124 = arith.cmpi sgt, %get3A_868, %gt3A_1123 : i32
    %convert_element_type3A_1125 = arith.extui %gt3A_1124 : i1 to i32
    %cond3A_1126 = arith.constant 0 : i32
    %cond3A_1127 = arith.cmpi ne, %convert_element_type3A_1125, %cond3A_1126 : i32
    scf.if %cond3A_1127 {
      %get3A_1188 = arith.index_cast %arg0 : i32 to index
      %get3A_1189 = arith.constant 51 : index
      %get3A_1190 = memref.load %arg1[%get3A_1188, %get3A_1189] : memref<64x64xi32, #tpu.memory_space<smem>>
      %jit3A_1191 = arith.constant 0 : i32
      %jit3A_1192 = arith.constant 2047 : i32
      %max3A_1193 = arith.maxsi %jit3A_1191, %get3A_1190 : i32
      %min3A_1194 = arith.minsi %jit3A_1192, %max3A_1193 : i32
      %slice3A = vector.extract_strided_slice %add3A_865 {offsets = [51, 0], sizes = [1, 768], strides = [1, 1]} : vector<64x768xf32> to vector<1x768xf32>
      %swap3A_1195 = arith.index_cast %min3A_1194 : i32 to index
      %swap3A_1196 = arith.constant 0 : index
      %swap3A_1197 = vector.load %arg8[%swap3A_1195, %swap3A_1196] : memref<2048x768xf32, #tpu.memory_space<vmem>>, vector<1x768xf32>
      tpu.vector_store %arg8[%swap3A_1195, %swap3A_1196], %slice3A {strides = array<i32>} : memref<2048x768xf32, #tpu.memory_space<vmem>>, vector<1x768xf32>,
    } else {
    }
    %gt3A_1128 = arith.constant 52 : i32
    %gt3A_1129 = arith.cmpi sgt, %get3A_868, %gt3A_1128 : i32
    %convert_element_type3A_1130 = arith.extui %gt3A_1129 : i1 to i32
    %cond3A_1131 = arith.constant 0 : i32
    %cond3A_1132 = arith.cmpi ne, %convert_element_type3A_1130, %cond3A_1131 : i32
    scf.if %cond3A_1132 {
      %get3A_1188 = arith.index_cast %arg0 : i32 to index
      %get3A_1189 = arith.constant 52 : index
      %get3A_1190 = memref.load %arg1[%get3A_1188, %get3A_1189] : memref<64x64xi32, #tpu.memory_space<smem>>
      %jit3A_1191 = arith.constant 0 : i32
      %jit3A_1192 = arith.constant 2047 : i32
      %max3A_1193 = arith.maxsi %jit3A_1191, %get3A_1190 : i32
      %min3A_1194 = arith.minsi %jit3A_1192, %max3A_1193 : i32
      %slice3A = vector.extract_strided_slice %add3A_865 {offsets = [52, 0], sizes = [1, 768], strides = [1, 1]} : vector<64x768xf32> to vector<1x768xf32>
      %swap3A_1195 = arith.index_cast %min3A_1194 : i32 to index
      %swap3A_1196 = arith.constant 0 : index
      %swap3A_1197 = vector.load %arg8[%swap3A_1195, %swap3A_1196] : memref<2048x768xf32, #tpu.memory_space<vmem>>, vector<1x768xf32>
      tpu.vector_store %arg8[%swap3A_1195, %swap3A_1196], %slice3A {strides = array<i32>} : memref<2048x768xf32, #tpu.memory_space<vmem>>, vector<1x768xf32>,
    } else {
    }
    %gt3A_1133 = arith.constant 53 : i32
    %gt3A_1134 = arith.cmpi sgt, %get3A_868, %gt3A_1133 : i32
    %convert_element_type3A_1135 = arith.extui %gt3A_1134 : i1 to i32
    %cond3A_1136 = arith.constant 0 : i32
    %cond3A_1137 = arith.cmpi ne, %convert_element_type3A_1135, %cond3A_1136 : i32
    scf.if %cond3A_1137 {
      %get3A_1188 = arith.index_cast %arg0 : i32 to index
      %get3A_1189 = arith.constant 53 : index
      %get3A_1190 = memref.load %arg1[%get3A_1188, %get3A_1189] : memref<64x64xi32, #tpu.memory_space<smem>>
      %jit3A_1191 = arith.constant 0 : i32
      %jit3A_1192 = arith.constant 2047 : i32
      %max3A_1193 = arith.maxsi %jit3A_1191, %get3A_1190 : i32
      %min3A_1194 = arith.minsi %jit3A_1192, %max3A_1193 : i32
      %slice3A = vector.extract_strided_slice %add3A_865 {offsets = [53, 0], sizes = [1, 768], strides = [1, 1]} : vector<64x768xf32> to vector<1x768xf32>
      %swap3A_1195 = arith.index_cast %min3A_1194 : i32 to index
      %swap3A_1196 = arith.constant 0 : index
      %swap3A_1197 = vector.load %arg8[%swap3A_1195, %swap3A_1196] : memref<2048x768xf32, #tpu.memory_space<vmem>>, vector<1x768xf32>
      tpu.vector_store %arg8[%swap3A_1195, %swap3A_1196], %slice3A {strides = array<i32>} : memref<2048x768xf32, #tpu.memory_space<vmem>>, vector<1x768xf32>,
    } else {
    }
    %gt3A_1138 = arith.constant 54 : i32
    %gt3A_1139 = arith.cmpi sgt, %get3A_868, %gt3A_1138 : i32
    %convert_element_type3A_1140 = arith.extui %gt3A_1139 : i1 to i32
    %cond3A_1141 = arith.constant 0 : i32
    %cond3A_1142 = arith.cmpi ne, %convert_element_type3A_1140, %cond3A_1141 : i32
    scf.if %cond3A_1142 {
      %get3A_1188 = arith.index_cast %arg0 : i32 to index
      %get3A_1189 = arith.constant 54 : index
      %get3A_1190 = memref.load %arg1[%get3A_1188, %get3A_1189] : memref<64x64xi32, #tpu.memory_space<smem>>
      %jit3A_1191 = arith.constant 0 : i32
      %jit3A_1192 = arith.constant 2047 : i32
      %max3A_1193 = arith.maxsi %jit3A_1191, %get3A_1190 : i32
      %min3A_1194 = arith.minsi %jit3A_1192, %max3A_1193 : i32
      %slice3A = vector.extract_strided_slice %add3A_865 {offsets = [54, 0], sizes = [1, 768], strides = [1, 1]} : vector<64x768xf32> to vector<1x768xf32>
      %swap3A_1195 = arith.index_cast %min3A_1194 : i32 to index
      %swap3A_1196 = arith.constant 0 : index
      %swap3A_1197 = vector.load %arg8[%swap3A_1195, %swap3A_1196] : memref<2048x768xf32, #tpu.memory_space<vmem>>, vector<1x768xf32>
      tpu.vector_store %arg8[%swap3A_1195, %swap3A_1196], %slice3A {strides = array<i32>} : memref<2048x768xf32, #tpu.memory_space<vmem>>, vector<1x768xf32>,
    } else {
    }
    %gt3A_1143 = arith.constant 55 : i32
    %gt3A_1144 = arith.cmpi sgt, %get3A_868, %gt3A_1143 : i32
    %convert_element_type3A_1145 = arith.extui %gt3A_1144 : i1 to i32
    %cond3A_1146 = arith.constant 0 : i32
    %cond3A_1147 = arith.cmpi ne, %convert_element_type3A_1145, %cond3A_1146 : i32
    scf.if %cond3A_1147 {
      %get3A_1188 = arith.index_cast %arg0 : i32 to index
      %get3A_1189 = arith.constant 55 : index
      %get3A_1190 = memref.load %arg1[%get3A_1188, %get3A_1189] : memref<64x64xi32, #tpu.memory_space<smem>>
      %jit3A_1191 = arith.constant 0 : i32
      %jit3A_1192 = arith.constant 2047 : i32
      %max3A_1193 = arith.maxsi %jit3A_1191, %get3A_1190 : i32
      %min3A_1194 = arith.minsi %jit3A_1192, %max3A_1193 : i32
      %slice3A = vector.extract_strided_slice %add3A_865 {offsets = [55, 0], sizes = [1, 768], strides = [1, 1]} : vector<64x768xf32> to vector<1x768xf32>
      %swap3A_1195 = arith.index_cast %min3A_1194 : i32 to index
      %swap3A_1196 = arith.constant 0 : index
      %swap3A_1197 = vector.load %arg8[%swap3A_1195, %swap3A_1196] : memref<2048x768xf32, #tpu.memory_space<vmem>>, vector<1x768xf32>
      tpu.vector_store %arg8[%swap3A_1195, %swap3A_1196], %slice3A {strides = array<i32>} : memref<2048x768xf32, #tpu.memory_space<vmem>>, vector<1x768xf32>,
    } else {
    }
    %gt3A_1148 = arith.constant 56 : i32
    %gt3A_1149 = arith.cmpi sgt, %get3A_868, %gt3A_1148 : i32
    %convert_element_type3A_1150 = arith.extui %gt3A_1149 : i1 to i32
    %cond3A_1151 = arith.constant 0 : i32
    %cond3A_1152 = arith.cmpi ne, %convert_element_type3A_1150, %cond3A_1151 : i32
    scf.if %cond3A_1152 {
      %get3A_1188 = arith.index_cast %arg0 : i32 to index
      %get3A_1189 = arith.constant 56 : index
      %get3A_1190 = memref.load %arg1[%get3A_1188, %get3A_1189] : memref<64x64xi32, #tpu.memory_space<smem>>
      %jit3A_1191 = arith.constant 0 : i32
      %jit3A_1192 = arith.constant 2047 : i32
      %max3A_1193 = arith.maxsi %jit3A_1191, %get3A_1190 : i32
      %min3A_1194 = arith.minsi %jit3A_1192, %max3A_1193 : i32
      %slice3A = vector.extract_strided_slice %add3A_865 {offsets = [56, 0], sizes = [1, 768], strides = [1, 1]} : vector<64x768xf32> to vector<1x768xf32>
      %swap3A_1195 = arith.index_cast %min3A_1194 : i32 to index
      %swap3A_1196 = arith.constant 0 : index
      %swap3A_1197 = vector.load %arg8[%swap3A_1195, %swap3A_1196] : memref<2048x768xf32, #tpu.memory_space<vmem>>, vector<1x768xf32>
      tpu.vector_store %arg8[%swap3A_1195, %swap3A_1196], %slice3A {strides = array<i32>} : memref<2048x768xf32, #tpu.memory_space<vmem>>, vector<1x768xf32>,
    } else {
    }
    %gt3A_1153 = arith.constant 57 : i32
    %gt3A_1154 = arith.cmpi sgt, %get3A_868, %gt3A_1153 : i32
    %convert_element_type3A_1155 = arith.extui %gt3A_1154 : i1 to i32
    %cond3A_1156 = arith.constant 0 : i32
    %cond3A_1157 = arith.cmpi ne, %convert_element_type3A_1155, %cond3A_1156 : i32
    scf.if %cond3A_1157 {
      %get3A_1188 = arith.index_cast %arg0 : i32 to index
      %get3A_1189 = arith.constant 57 : index
      %get3A_1190 = memref.load %arg1[%get3A_1188, %get3A_1189] : memref<64x64xi32, #tpu.memory_space<smem>>
      %jit3A_1191 = arith.constant 0 : i32
      %jit3A_1192 = arith.constant 2047 : i32
      %max3A_1193 = arith.maxsi %jit3A_1191, %get3A_1190 : i32
      %min3A_1194 = arith.minsi %jit3A_1192, %max3A_1193 : i32
      %slice3A = vector.extract_strided_slice %add3A_865 {offsets = [57, 0], sizes = [1, 768], strides = [1, 1]} : vector<64x768xf32> to vector<1x768xf32>
      %swap3A_1195 = arith.index_cast %min3A_1194 : i32 to index
      %swap3A_1196 = arith.constant 0 : index
      %swap3A_1197 = vector.load %arg8[%swap3A_1195, %swap3A_1196] : memref<2048x768xf32, #tpu.memory_space<vmem>>, vector<1x768xf32>
      tpu.vector_store %arg8[%swap3A_1195, %swap3A_1196], %slice3A {strides = array<i32>} : memref<2048x768xf32, #tpu.memory_space<vmem>>, vector<1x768xf32>,
    } else {
    }
    %gt3A_1158 = arith.constant 58 : i32
    %gt3A_1159 = arith.cmpi sgt, %get3A_868, %gt3A_1158 : i32
    %convert_element_type3A_1160 = arith.extui %gt3A_1159 : i1 to i32
    %cond3A_1161 = arith.constant 0 : i32
    %cond3A_1162 = arith.cmpi ne, %convert_element_type3A_1160, %cond3A_1161 : i32
    scf.if %cond3A_1162 {
      %get3A_1188 = arith.index_cast %arg0 : i32 to index
      %get3A_1189 = arith.constant 58 : index
      %get3A_1190 = memref.load %arg1[%get3A_1188, %get3A_1189] : memref<64x64xi32, #tpu.memory_space<smem>>
      %jit3A_1191 = arith.constant 0 : i32
      %jit3A_1192 = arith.constant 2047 : i32
      %max3A_1193 = arith.maxsi %jit3A_1191, %get3A_1190 : i32
      %min3A_1194 = arith.minsi %jit3A_1192, %max3A_1193 : i32
      %slice3A = vector.extract_strided_slice %add3A_865 {offsets = [58, 0], sizes = [1, 768], strides = [1, 1]} : vector<64x768xf32> to vector<1x768xf32>
      %swap3A_1195 = arith.index_cast %min3A_1194 : i32 to index
      %swap3A_1196 = arith.constant 0 : index
      %swap3A_1197 = vector.load %arg8[%swap3A_1195, %swap3A_1196] : memref<2048x768xf32, #tpu.memory_space<vmem>>, vector<1x768xf32>
      tpu.vector_store %arg8[%swap3A_1195, %swap3A_1196], %slice3A {strides = array<i32>} : memref<2048x768xf32, #tpu.memory_space<vmem>>, vector<1x768xf32>,
    } else {
    }
    %gt3A_1163 = arith.constant 59 : i32
    %gt3A_1164 = arith.cmpi sgt, %get3A_868, %gt3A_1163 : i32
    %convert_element_type3A_1165 = arith.extui %gt3A_1164 : i1 to i32
    %cond3A_1166 = arith.constant 0 : i32
    %cond3A_1167 = arith.cmpi ne, %convert_element_type3A_1165, %cond3A_1166 : i32
    scf.if %cond3A_1167 {
      %get3A_1188 = arith.index_cast %arg0 : i32 to index
      %get3A_1189 = arith.constant 59 : index
      %get3A_1190 = memref.load %arg1[%get3A_1188, %get3A_1189] : memref<64x64xi32, #tpu.memory_space<smem>>
      %jit3A_1191 = arith.constant 0 : i32
      %jit3A_1192 = arith.constant 2047 : i32
      %max3A_1193 = arith.maxsi %jit3A_1191, %get3A_1190 : i32
      %min3A_1194 = arith.minsi %jit3A_1192, %max3A_1193 : i32
      %slice3A = vector.extract_strided_slice %add3A_865 {offsets = [59, 0], sizes = [1, 768], strides = [1, 1]} : vector<64x768xf32> to vector<1x768xf32>
      %swap3A_1195 = arith.index_cast %min3A_1194 : i32 to index
      %swap3A_1196 = arith.constant 0 : index
      %swap3A_1197 = vector.load %arg8[%swap3A_1195, %swap3A_1196] : memref<2048x768xf32, #tpu.memory_space<vmem>>, vector<1x768xf32>
      tpu.vector_store %arg8[%swap3A_1195, %swap3A_1196], %slice3A {strides = array<i32>} : memref<2048x768xf32, #tpu.memory_space<vmem>>, vector<1x768xf32>,
    } else {
    }
    %gt3A_1168 = arith.constant 60 : i32
    %gt3A_1169 = arith.cmpi sgt, %get3A_868, %gt3A_1168 : i32
    %convert_element_type3A_1170 = arith.extui %gt3A_1169 : i1 to i32
    %cond3A_1171 = arith.constant 0 : i32
    %cond3A_1172 = arith.cmpi ne, %convert_element_type3A_1170, %cond3A_1171 : i32
    scf.if %cond3A_1172 {
      %get3A_1188 = arith.index_cast %arg0 : i32 to index
      %get3A_1189 = arith.constant 60 : index
      %get3A_1190 = memref.load %arg1[%get3A_1188, %get3A_1189] : memref<64x64xi32, #tpu.memory_space<smem>>
      %jit3A_1191 = arith.constant 0 : i32
      %jit3A_1192 = arith.constant 2047 : i32
      %max3A_1193 = arith.maxsi %jit3A_1191, %get3A_1190 : i32
      %min3A_1194 = arith.minsi %jit3A_1192, %max3A_1193 : i32
      %slice3A = vector.extract_strided_slice %add3A_865 {offsets = [60, 0], sizes = [1, 768], strides = [1, 1]} : vector<64x768xf32> to vector<1x768xf32>
      %swap3A_1195 = arith.index_cast %min3A_1194 : i32 to index
      %swap3A_1196 = arith.constant 0 : index
      %swap3A_1197 = vector.load %arg8[%swap3A_1195, %swap3A_1196] : memref<2048x768xf32, #tpu.memory_space<vmem>>, vector<1x768xf32>
      tpu.vector_store %arg8[%swap3A_1195, %swap3A_1196], %slice3A {strides = array<i32>} : memref<2048x768xf32, #tpu.memory_space<vmem>>, vector<1x768xf32>,
    } else {
    }
    %gt3A_1173 = arith.constant 61 : i32
    %gt3A_1174 = arith.cmpi sgt, %get3A_868, %gt3A_1173 : i32
    %convert_element_type3A_1175 = arith.extui %gt3A_1174 : i1 to i32
    %cond3A_1176 = arith.constant 0 : i32
    %cond3A_1177 = arith.cmpi ne, %convert_element_type3A_1175, %cond3A_1176 : i32
    scf.if %cond3A_1177 {
      %get3A_1188 = arith.index_cast %arg0 : i32 to index
      %get3A_1189 = arith.constant 61 : index
      %get3A_1190 = memref.load %arg1[%get3A_1188, %get3A_1189] : memref<64x64xi32, #tpu.memory_space<smem>>
      %jit3A_1191 = arith.constant 0 : i32
      %jit3A_1192 = arith.constant 2047 : i32
      %max3A_1193 = arith.maxsi %jit3A_1191, %get3A_1190 : i32
      %min3A_1194 = arith.minsi %jit3A_1192, %max3A_1193 : i32
      %slice3A = vector.extract_strided_slice %add3A_865 {offsets = [61, 0], sizes = [1, 768], strides = [1, 1]} : vector<64x768xf32> to vector<1x768xf32>
      %swap3A_1195 = arith.index_cast %min3A_1194 : i32 to index
      %swap3A_1196 = arith.constant 0 : index
      %swap3A_1197 = vector.load %arg8[%swap3A_1195, %swap3A_1196] : memref<2048x768xf32, #tpu.memory_space<vmem>>, vector<1x768xf32>
      tpu.vector_store %arg8[%swap3A_1195, %swap3A_1196], %slice3A {strides = array<i32>} : memref<2048x768xf32, #tpu.memory_space<vmem>>, vector<1x768xf32>,
    } else {
    }
    %gt3A_1178 = arith.constant 62 : i32
    %gt3A_1179 = arith.cmpi sgt, %get3A_868, %gt3A_1178 : i32
    %convert_element_type3A_1180 = arith.extui %gt3A_1179 : i1 to i32
    %cond3A_1181 = arith.constant 0 : i32
    %cond3A_1182 = arith.cmpi ne, %convert_element_type3A_1180, %cond3A_1181 : i32
    scf.if %cond3A_1182 {
      %get3A_1188 = arith.index_cast %arg0 : i32 to index
      %get3A_1189 = arith.constant 62 : index
      %get3A_1190 = memref.load %arg1[%get3A_1188, %get3A_1189] : memref<64x64xi32, #tpu.memory_space<smem>>
      %jit3A_1191 = arith.constant 0 : i32
      %jit3A_1192 = arith.constant 2047 : i32
      %max3A_1193 = arith.maxsi %jit3A_1191, %get3A_1190 : i32
      %min3A_1194 = arith.minsi %jit3A_1192, %max3A_1193 : i32
      %slice3A = vector.extract_strided_slice %add3A_865 {offsets = [62, 0], sizes = [1, 768], strides = [1, 1]} : vector<64x768xf32> to vector<1x768xf32>
      %swap3A_1195 = arith.index_cast %min3A_1194 : i32 to index
      %swap3A_1196 = arith.constant 0 : index
      %swap3A_1197 = vector.load %arg8[%swap3A_1195, %swap3A_1196] : memref<2048x768xf32, #tpu.memory_space<vmem>>, vector<1x768xf32>
      tpu.vector_store %arg8[%swap3A_1195, %swap3A_1196], %slice3A {strides = array<i32>} : memref<2048x768xf32, #tpu.memory_space<vmem>>, vector<1x768xf32>,
    } else {
    }
    %gt3A_1183 = arith.constant 63 : i32
    %gt3A_1184 = arith.cmpi sgt, %get3A_868, %gt3A_1183 : i32
    %convert_element_type3A_1185 = arith.extui %gt3A_1184 : i1 to i32
    %cond3A_1186 = arith.constant 0 : i32
    %cond3A_1187 = arith.cmpi ne, %convert_element_type3A_1185, %cond3A_1186 : i32
    scf.if %cond3A_1187 {
      %get3A_1188 = arith.index_cast %arg0 : i32 to index
      %get3A_1189 = arith.constant 63 : index
      %get3A_1190 = memref.load %arg1[%get3A_1188, %get3A_1189] : memref<64x64xi32, #tpu.memory_space<smem>>
      %jit3A_1191 = arith.constant 0 : i32
      %jit3A_1192 = arith.constant 2047 : i32
      %max3A_1193 = arith.maxsi %jit3A_1191, %get3A_1190 : i32
      %min3A_1194 = arith.minsi %jit3A_1192, %max3A_1193 : i32
      %slice3A = vector.extract_strided_slice %add3A_865 {offsets = [63, 0], sizes = [1, 768], strides = [1, 1]} : vector<64x768xf32> to vector<1x768xf32>
      %swap3A_1195 = arith.index_cast %min3A_1194 : i32 to index
      %swap3A_1196 = arith.constant 0 : index
      %swap3A_1197 = vector.load %arg8[%swap3A_1195, %swap3A_1196] : memref<2048x768xf32, #tpu.memory_space<vmem>>, vector<1x768xf32>
      tpu.vector_store %arg8[%swap3A_1195, %swap3A_1196], %slice3A {strides = array<i32>} : memref<2048x768xf32, #tpu.memory_space<vmem>>, vector<1x768xf32>,
    } else {
    }
    return
  }
  func.func @transform_0(%arg0: i32) -> (i32, i32) {
    %c0_i32 = arith.constant 0 : i32
    %c0_i32_0 = arith.constant 0 : i32
    %c0_i32_1 = arith.constant 0 : i32
    return %c0_i32, %c0_i32_0 : i32, i32
  }
  func.func @transform_1(%arg0: i32) -> (i32, i32) {
    %c0_i32 = arith.constant 0 : i32
    %c0_i32_0 = arith.constant 0 : i32
    %c0_i32_1 = arith.constant 0 : i32
    return %c0_i32, %c0_i32_0 : i32, i32
  }
  func.func @transform_2(%arg0: i32) -> (i32, i32) {
    %c0_i32 = arith.constant 0 : i32
    %c0_i32_0 = arith.constant 0 : i32
    %c0_i32_1 = arith.constant 0 : i32
    return %c0_i32, %c0_i32_0 : i32, i32
  }
  func.func @transform_3(%arg0: i32) -> (i32, i32, i32) {
    %c0_i32 = arith.constant 0 : i32
    %c0_i32_0 = arith.constant 0 : i32
    %c0_i32_1 = arith.constant 0 : i32
    return %arg0, %c0_i32, %c0_i32_0 : i32, i32, i32
  }
  func.func @transform_4(%arg0: i32) -> (i32, i32, i32) {
    %c0_i32 = arith.constant 0 : i32
    %c0_i32_0 = arith.constant 0 : i32
    %c0_i32_1 = arith.constant 0 : i32
    %c0_i32_2 = arith.constant 0 : i32
    return %c0_i32, %c0_i32_0, %c0_i32_1 : i32, i32, i32
  }
  func.func @transform_5(%arg0: i32) -> (i32, i32, i32) {
    %c0_i32 = arith.constant 0 : i32
    %c0_i32_0 = arith.constant 0 : i32
    %c0_i32_1 = arith.constant 0 : i32
    return %arg0, %c0_i32, %c0_i32_0 : i32, i32, i32
  }
  func.func @transform_6(%arg0: i32) -> (i32, i32, i32) {
    %c0_i32 = arith.constant 0 : i32
    %c0_i32_0 = arith.constant 0 : i32
    %c0_i32_1 = arith.constant 0 : i32
    %c0_i32_2 = arith.constant 0 : i32
    return %c0_i32, %c0_i32_0, %c0_i32_1 : i32, i32, i32
  }
  func.func @transform_7(%arg0: i32) -> (i32, i32) {
    %c0_i32 = arith.constant 0 : i32
    %c0_i32_0 = arith.constant 0 : i32
    %c0_i32_1 = arith.constant 0 : i32
    return %c0_i32, %c0_i32_0 : i32, i32
  }
}

</mosaic_0001>

<sc_bundles>
// kernel: kernel.5.cloned.1.call-start
scs
__scs_entry_jumppad:
0x0: {  	(pc) =	sbr.rel $0x88, $3  }
0x1: {  	(tag) =	ssettag $0x0;
	lr =	simm.s32 $0x1  }
0x2: {  	[smem:$0x3F9A] =	sst lr;
	_ =	strace $0xD0000000  }
0x3: {  	_ = 	snop  }
0x4: {  	_ = 	snop  }
0x5: {  	_ = 	snop  }
0x6: {  	_ = 	snop  }
0x7: {  	_ = 	snop  }
__scs_overlays_trampoline_lowered:
0x8: {  	[smem:$0x3FA9] =	sst s0  }
0x9: {  	[smem:$0x3FAA] =	sst s1  }
0xa: {  	[smem:$0x3FAB] =	sst s2  }
0xb: {  	[smem:$0x3FAC] =	sst s3  }
0xc: {  	[smem:$0x3FAD] =	sst s4  }
0xd: {  	[smem:$0x3FAE] =	sst s5  }
0xe: {  	[smem:$0x3FAF] =	sst s6  }
0xf: {  	[smem:$0x3FB0] =	sst s7  }
0x10: {  	[smem:$0x3FB1] =	sst s8  }
0x11: {  	[smem:$0x3FB2] =	sst s9;
	s0 =	simm.s32 @!p0 $0x0  }
0x12: {  	s1 =	sld [smem:$0x3F98];
	s0 =	simm.s32 @p0 $0x1  }
0x13: {  	[smem:$0x3FB3] =	sst s0;
	s0 =	simm.s32 @!p1 $0x0  }
0x14: {  	s2 =	sld [smem:$0x3F97];
	s0 =	simm.s32 @p1 $0x1  }
0x15: {  	[smem:$0x3FB4] =	sst s0;
	s0 =	simm.s32 @!p2 $0x0  }
0x16: {  	s3 =	sld [smem:$0x3FDB];
	s0 =	simm.s32 @p2 $0x1  }
0x17: {  	s4 =	simm.s32 $0x1BF5;
	[smem:$0x3FB6] =	sst s0  }
0x18: {  	s0 =	sld [smem:$0x3F99];
	_ =	swait.ge [sflag:s4], $0x0  }
0x19: {  	s7 =	sld [smem:$0x3F9A]  }
0x1a: {  	s8 =	sadd.s32 $0xFFFFE003, lr  }
0x1b: {  	s9 =	sadd.s32 $0xFFFFFEF7, lr;
	s5 =	simm.s32 $0xFFFFFFFF;
	p2 =	slt.u32 s8, $0xFFFFF086  }
0x1c: {  	p1 =	slt.u32 s9, $0xF7A;
	s5 =	simm.s32 @!p2 $0x0  }
0x1d: {  	s5 =	simm.s32 @p1 $0x1;
	p0 =	seq.s32 s7, s2  }
0x1e: {  	s7 =	smul.u32 @!p0 $0xF7A, s2;
	p2 =	seq.s32 @!p0 s5, $0x0  }
0x1f: {  	s9 =	smul.u32 $0xF7A, s1;
	s8 =	simm.s32 @!p0 $0x1BF5;
	p2 =	por !p2, p0  }
0x20: {  	[sflag:s8] =	ssyncset.s32 @!p0 $0xFFFFF086;
	s6 =	sadd.s32 @!p0 s3, s7;
	s7 =	simm.s32 @!p0 $0x108  }
0x21: {  	s3 =	sadd.s32 s3, s9;
	s6 =	sadd.s32 @!p0 $0x88, s6;
	s7 =	simm.s32 @p2 $0x1082  }
0x22: {  	[simem:s7], [sflag:s8] =	dma.local @!p0 [hbm:s6], $0xF7A  }
0x23: {  	s9 =	sor.u32 $0xD0000000, s2;
	s6 =	simm.s32 $0x108;
	_ =	swait.ge @!p0 [sflag:s8], $0x0  }
0x24: {  	s3 =	sadd.s32 $0x88, s3;
	s6 =	simm.s32 @!p1 $0x1082;
	[sflag:s4] =	ssyncset.s32 $0xFFFFF086  }
0x25: {  	[simem:s6], [sflag:s4] =	dma.local [hbm:s3], $0xF7A  }
0x26: {  	[smem:$0x3F9A] =	sst s1;
	(tag) =	ssettag s2;
	_ =	strace s9  }
0x27: {  	s1 =	sld [smem:$0x3FAA]  }
0x28: {  	s2 =	sld [smem:$0x3FAB]  }
0x29: {  	s4 =	sld [smem:$0x3FAD]  }
0x2a: {  	p0 =	seq.s32 s5, $0x0;
	s5 =	sld [smem:$0x3FAE]  }
0x2b: {  	s6 =	sld [smem:$0x3FAF]  }
0x2c: {  	s7 =	sld [smem:$0x3FB0]  }
0x2d: {  	s3 =	simm.s32 $0x108;
	s8 =	sld [smem:$0x3FB1]  }
0x2e: {  	s3 =	simm.s32 @!p0 $0x1082;
	s9 =	sld [smem:$0x3FB2]  }
0x2f: {  	lr =	sadd.s32 s0, s3;
	s0 =	sld [smem:$0x3FA9]  }
0x30: {  	s3 =	sld [smem:$0x3FAC]  }
0x31: {  	[smem:$0x3FB5] =	sst s10  }
0x32: {  	s10 =	sld [smem:$0x3FB3];
	_ =	sdelay $0x3  }
0x33: {  	p0 =	seq.s32 s10, $0x1;
	s10 =	sld [smem:$0x3FB5];
	_ =	sdelay $0x3  }
0x34: {  	[smem:$0x3FB5] =	sst s10  }
0x35: {  	s10 =	sld [smem:$0x3FB4];
	_ =	sdelay $0x3  }
0x36: {  	p1 =	seq.s32 s10, $0x1;
	s10 =	sld [smem:$0x3FB5];
	_ =	sdelay $0x3  }
0x37: {  	[smem:$0x3FB5] =	sst s10  }
0x38: {  	s10 =	sld [smem:$0x3FB6]  }
0x39: {  	_ = 	snop;
	(pc) =	sbr.ind lr, $3  }
0x3a: {  	_ = 	snop  }
0x3b: {  	_ = 	snop  }
0x3c: {  	p2 =	seq.s32 s10, $0x1;
	s10 =	sld [smem:$0x3FB5]  }
0x3d: {  	_ =	shalt  }
0x3e: {  	_ =	shalt  }
0x3f: {  	_ =	shalt  }
0x40: {  	_ =	shalt  }
0x41: {  	_ =	shalt  }
0x42: {  	_ =	shalt  }
0x43: {  	_ =	shalt  }
0x44: {  	_ =	shalt  }
0x45: {  	_ =	shalt  }
0x46: {  	_ =	shalt  }
0x47: {  	_ =	shalt  }
0x48: {  	_ =	shalt  }
0x49: {  	_ =	shalt  }
0x4a: {  	_ =	shalt  }
0x4b: {  	_ =	shalt  }
0x4c: {  	_ =	shalt  }
0x4d: {  	_ =	shalt  }
0x4e: {  	_ =	shalt  }
0x4f: {  	_ =	shalt  }
0x50: {  	_ =	shalt  }
0x51: {  	_ =	shalt  }
0x52: {  	_ =	shalt  }
0x53: {  	_ =	shalt  }
0x54: {  	_ =	shalt  }
0x55: {  	_ =	shalt  }
0x56: {  	_ =	shalt  }
0x57: {  	_ =	shalt  }
0x58: {  	_ =	shalt  }
0x59: {  	_ =	shalt  }
0x5a: {  	_ =	shalt  }
0x5b: {  	_ =	shalt  }
0x5c: {  	_ =	shalt  }
0x5d: {  	_ =	shalt  }
0x5e: {  	_ =	shalt  }
0x5f: {  	_ =	shalt  }
0x60: {  	_ =	shalt  }
0x61: {  	_ =	shalt  }
0x62: {  	_ =	shalt  }
0x63: {  	_ =	shalt  }
0x64: {  	_ =	shalt  }
0x65: {  	_ =	shalt  }
0x66: {  	_ =	shalt  }
0x67: {  	_ =	shalt  }
0x68: {  	_ =	shalt  }
0x69: {  	_ =	shalt  }
0x6a: {  	_ =	shalt  }
0x6b: {  	_ =	shalt  }
0x6c: {  	_ =	shalt  }
0x6d: {  	_ =	shalt  }
0x6e: {  	_ =	shalt  }
0x6f: {  	_ =	shalt  }
0x70: {  	_ =	shalt  }
0x71: {  	_ =	shalt  }
0x72: {  	_ =	shalt  }
0x73: {  	_ =	shalt  }
0x74: {  	_ =	shalt  }
0x75: {  	_ =	shalt  }
0x76: {  	_ =	shalt  }
0x77: {  	_ =	shalt  }
0x78: {  	_ =	shalt  }
0x79: {  	_ =	shalt  }
0x7a: {  	_ =	shalt  }
0x7b: {  	_ =	shalt  }
0x7c: {  	_ =	shalt  }
0x7d: {  	_ =	shalt  }
0x7e: {  	_ =	shalt  }
0x7f: {  	_ =	shalt  }
0x80: {  	_ =	shalt  }
0x81: {  	_ =	shalt  }
0x82: {  	_ =	shalt  }
0x83: {  	_ =	shalt  }
0x84: {  	_ =	shalt  }
0x85: {  	_ =	shalt  }
0x86: {  	_ =	shalt  }
0x87: {  	_ =	shalt  }
.Lfunc_end0:
.L_simem_size_0:
called_computation_lowered:
.L_overlay_start_0:
0x88: {  	s2 =	sld [smem:$0x3FD9]  }
0x89: {  	s3 =	sld [smem:$0x3FFE];
	_ =	sdelay $0x1  }
0x8a: {  	s1 =	srdreg.scid  }
0x8b: {  	s0 =	sand.u32 $0x1, s1  }
0x8c: {  	s17 =	sshll.u32 s0, $0xA;
	s2 =	sadd.s32 s3, s2  }
0x8d: {  	s2 =	sadd.s32 s2, s17  }
0x8e: {  	[smem:$0x3FC1] =	sst s2  }
0x8f: {  	_ = 	snop  }
0x90: {  	s2 =	sld [smem:$0x3FD0];
	(tm) =	ssettm $0x1  }
0x91: {  	s18 =	sld [smem:$0x3FFB];
	_ =	sdelay $0x3  }
0x92: {  	_ =	strace s18  }
0x93: {  	s3 =	sld [smem:$0x3FFC];
	_ =	sdelay $0x3  }
0x94: {  	_ =	strace s3  }
0x95: {  	s3 =	sld [smem:$0x3FFD];
	_ =	sdelay $0x3  }
0x96: {  	_ =	strace s3  }
0x97: {  	_ =	strace $0x8FFFFFFF  }
0x98: {  	s19 =	sld [smem:$0x3FDB];
	_ =	sdelay $0x1  }
0x99: {  	s4 =	simm.s32 $_scs_section_size  }
0x9a: {  	s5 =	simm.s32 $_size__tile_overlayer_lowered;
	s6 =	simm.s32 $_tile_overlayer_lowered  }
0x9b: {  	s22 =	simm.s32 $0x1BFF;
	s21 =	sshll.u32 s6, $0x1;
	s3 =	sadd.s32 s4, s19  }
0x9c: {  	s7 =	simm.s32 $0x0;
	s20 =	sshll.u32 s5, $0x1;
	s5 =	sadd.s32 s21, s3  }
0x9d: {  	[timem:s7], [sflag:s22] =	dma.local [hbm:s5], s20  }
0x9e: {  	_ =	swait.ge [sflag:s22], s20  }
0x9f: {  	s4 =	ssub.s32 $0x0, s20;
	[sflag:s22] =	ssyncset.done $0x0  }
0xa0: {  	[sflag:s22] =	ssyncadd.s32 s4;
	_ =	sdelay $0x1  }
0xa1: {  	s23 =	simm.s32 $0x1B8B  }
0xa2: {  	_ =	swait.ge [sflag:s23], $0x1  }
0xa3: {  	[sflag:s23] =	ssyncset.done $0x0  }
0xa4: {  	s25 =	simm.s32 $0x1B8E;
	s24 =	sld [smem:$0x3FFE];
	[sflag:s23] =	ssyncadd.s32 $0xFFFFFFFF  }
0xa5: {  	s26 =	simm.s32 $execute0_lowered;
	[smem:$0x3FD2] =	sst s25  }
0xa6: {  	s5 =	sshll.u32 s26, $0x1;
	_ =	strace $0x80000046;
	[dreg:$0x1] =	wrdreg $0xFFFFFFFF  }
0xa7: {  	s28 =	simm.s32 $_size_execute0_lowered;
	s3 =	sadd.s32 s3, s5;
	[dreg:$0x0] =	wrdreg $0x0  }
0xa8: {  	s5 =	sshll.u32 s28, $0x1;
	[dreg:$0x2] =	wrdreg s3  }
0xa9: {  	[dreg:$0x3] =	wrdreg s5  }
0xaa: {  	[dreg:$0x4] =	wrdreg $0xC0  }
0xab: {  	_ =	task [dreg:s7], $0x5FFFF  }
0xac: {  	[dreg:$0x1] =	wrdreg $0xFFFFFFFF  }
0xad: {  	[dreg:$0x0] =	wrdreg $0x60  }
0xae: {  	[dreg:$0x2] =	wrdreg s24  }
0xaf: {  	[dreg:$0x3] =	wrdreg s2  }
0xb0: {  	[dreg:$0x4] =	wrdreg $0x9  }
0xb1: {  	_ =	task.clear_ibuf [dreg:s7], $0x5FFFF;
	_ =	strace $0x90000046  }
0xb2: {  	s29 =	simm.s32 $0x9;
	_ =	strace $0x80000048  }
0xb3: {  	_ =	swait.ge [sflag:s29], $0x1  }
0xb4: {  	[sflag:s29] =	ssyncadd.s32 $0xFFFFFFFF  }
0xb5: {  	_ =	strace $0x90000048  }
0xb6: {  	_ =	sfence  }
0xb7: {  	s30 =	sld [smem:$0x0];
	_ =	sdelay $0x2  }
0xb8: {  	s31 =	sshll.u32 s1, $0xD;
	s1 =	sshrl.u32 s1, $0x2  }
0xb9: {  	s3 =	sand.u32 $0x4000, s31;
	s1 =	sadd.s32 s1, s30  }
0xba: {  	s0 =	sor.u32 s3, s0;
	s1 =	sshll.u32 s1, $0x11  }
0xbb: {  	s0 =	sor.u32 s1, s0  }
0xbc: {  	s0 =	sadd.s32 $0x8F2B, s0  }
0xbd: {  	[sflag:s0] =	ssyncadd.remote.s32 $0x1  }
0xbe: {  	_ =	sfence.sel $0xFFFF  }
0xbf: {  	[dreg:$0x0] =	wrdreg $0xFFFFFFFF;
	(pc) =	sbr.abs _section_cstart, $3  }
0xc0: {  	[dreg:$0x1] =	wrdreg $0xFFFFFFFF  }
0xc1: {  	_ =	task.clear_ibuf [dreg:s7], $0x2FFFF;
	_ =	strace $0x9FFFFFFF  }
0xc2: {  	(tm) =	ssettm $0x7FFFFFFF  }
0xc3: {  	_ =	shalt  }
tec
execute0_lowered:
.L_overlay_start_1:
0x0: {  	(tag) =	ssettag $0x1  }
0x1: {  	s1 =	srdreg.scid  }
0x2: {  	s0 =	stileid.u32;
	s4 =	rddreg [dreg:$0x0];
	s6 =	sand.u32 $0x1, s1  }
0x3: {  	s2 =	rddreg [dreg:$0x1];
	s30 =	sshll.u32 s0, $0x7;
	s3 =	sshll.u32 s6, $0x6  }
0x4: {  	s1 =	rddreg [dreg:$0x2];
	s6 =	ssub.s32 $0x2, s6;
	s7 =	sor.u32 s3, s30  }
0x5: {  	s3 =	simm.s32 $0x0;
	s9 =	sshrl.u32 s6, $0x1;
	s5 =	sshrl.u32 s7, $0x3  }
0x6: {  	[smem:$0x7FF] =	sst s3;
	s6 =	ssub.s32 s6, s9;
	s4 =	sadd.s32 s5, s4  }
0x7: {  	_ =	strace $0x80000047;
	s5 =	simm.s32 $0x2;
	s4 =	sadd.s32 $0xC00, s4  }
0x8: {  	[tilespmem:s3], [sflag:$0x2] =	stream.linear.gather [hbm4b:s4+s3], $0x40, $0x38;
	[tilespmem:$0x100] =	vst v63  }
0x9: {  	s9 =	smax.u32 s6, $0x1;
	_ =	swait.ge [sflag:s5], $0x40  }
0xa: {  	v3 =	vlaneseq.u32;
	s8 =	sor.u32 $0x30, s7;
	p0 =	sne.s32 s9, $0x1;
	[sflag:s5] =	ssyncset.done $0x0  }
.Ltmp0:
0xb: {  	s31 =	sor.u32 $0x20, s7;
	v0 =	vor.u32 s8, v3;
	[sflag:s5] =	ssyncadd.s32 $0xFFFFFFC0;
	(pc) =	sbr.rel @!p0 .LBB2_2-.Ltmp0, $4  }
0xc: {  	v1 =	vor.u32 s31, v3;
	[tilespmem:$0xB0] =	vst v0  }
0xd: {  	v2 =	vor.u32 s7, v3;
	s7 =	sor.u32 $0x10, s7;
	[tilespmem:$0xA0] =	vst v1  }
0xe: {  	v3 =	vor.u32 s7, v3;
	s6 =	simm.s32 $0x40;
	[tilespmem:$0x80] =	vst v2  }
0xf: {  	s8 =	simm.s32 $0x80;
	s7 =	simm.s32 $0x1;
	s9 =	sadd.s32 $0xFFFFFFFF, s9;
	[tilespmem:$0x90] =	vst v3  }
.LBB2_1:
0x10: {  	[hbm4b:s2+s6] =	stream.indirect.scatter [tilespmem:s8], [sflag:$0x1], $0x1, s3, s6, $0xb8;
	[tilespmem:$0x100] =	vst v63  }
0x11: {  	p0 =	sne.s32 s9, $0x1;
	s9 =	sadd.s32 $0xFFFFFFFF, s9;
	_ =	swait.ge [sflag:s7], $0x40  }
0x12: {  	[sflag:s7] =	ssyncset.done $0x0  }
0x13: {  	[sflag:s7] =	ssyncadd.s32 $0xFFFFFFC0  }
0x14: {  	[tilespmem:s3], [sflag:$0x2] =	stream.linear.gather [hbm4b:s4+s3], $0x40, $0x38;
	[tilespmem:$0x100] =	vst v63  }
0x15: {  	_ =	swait.ge [sflag:s5], $0x40  }
0x16: {  	[sflag:s5] =	ssyncset.done $0x0  }
.Ltmp1:
0x17: {  	[sflag:s5] =	ssyncadd.s32 $0xFFFFFFC0;
	(pc) =	sbr.rel @p0 .LBB2_1-.Ltmp1, $4  }
0x18: {  	[tilespmem:$0xB0] =	vst v0  }
0x19: {  	[tilespmem:$0xA0] =	vst v1  }
0x1a: {  	[tilespmem:$0x80] =	vst v2  }
0x1b: {  	[tilespmem:$0x90] =	vst v3  }
.LBB2_2:
0x1c: {  	[hbm4b:s2+s6] =	stream.indirect.scatter [tilespmem:s8], [sflag:$0x1], $0x1, s3, s6, $0xb8;
	[tilespmem:$0x100] =	vst v63  }
0x1d: {  	_ =	swait.ge [sflag:s7], $0x40  }
0x1e: {  	[sflag:s7] =	ssyncset.done $0x0  }
0x1f: {  	[sflag:s7] =	ssyncadd.s32 $0xFFFFFFC0  }
0x20: {  	_ =	sfence.sel $0x180000  }
0x21: {  	[bflag:$0x0] =	sbarrier.arrive $0xFFFF  }
0x22: {  	p0 =	sne.s32 s0, $0x0;
	_ =	strace $0x90000047  }
0x23: {  	s0 =	sadd.s32 @!p0 $0x100000, s1;
	[bflag:$0x2] =	sbarrier.arrive $0xFFFF  }
0x24: {  	[sflag:s0] =	ssyncadd.tile.s32 @!p0 $0x1;
	_ =	shalt  }
.Lfunc_end2:
_tile_overlayer_lowered:
.L_overlay_start_2:
0x25: {  	(tag) =	ssettag $0x2  }
0x26: {  	s0 =	rddreg [dreg:$0x0];
	s2 =	stileid.u32  }
0x27: {  	s1 =	rddreg [dreg:$0x1];
	p0 =	sne.s32 s2, $0x0  }
0x28: {  	s3 =	rddreg [dreg:$0x2];
	[bflag:$0x3] =	sbarrier.arrive $0xFFFF;
	s2 =	simm.s32 @!p0 $0x1C02  }
0x29: {  	[timem:s3], [sflag:s2] =	dma.local @!p0 [hbm:s0], s1  }
0x2a: {  	s0 =	simm.s32 @!p0 $0x2  }
0x2b: {  	_ =	swait.ge @!p0 [sflag:s0], s1  }
0x2c: {  	s1 =	ssub.s32 @!p0 $0x0, s1;
	[sflag:s0] =	ssyncset.done @!p0 $0x0  }
0x2d: {  	[sflag:s0] =	ssyncadd.s32 @!p0 s1  }
0x2e: {  	[bflag:$0x3] =	sbarrier.arrive $0xFFFF  }
0x2f: {  	_ =	shalt  }

</sc_bundles>
